<compile_context>
chip_gen: v7x
topology: tpu7x:2x2x1
jax: 0.10.2.dev20260603
libtpu: 0.0.44.dev20260713+nightly
codegen_flags: <defaults>
</compile_context>

<pallas_src>
import functools

import jax
import jax.numpy as jnp
from jax import lax
from jax.experimental import pallas as pl
from jax.experimental.pallas import tpu as pltpu
from jax.experimental.pallas import tpu_sc as plsc

_N = 10000
_E = 320000
_H = 128
_MID = 256
_F1 = 54
_G = 64

_NC = 2
_NS = 16
_CB = 128
_NCHUNK = _E // _CB
_KMAX = -(-_NCHUNK // _NS)
_AROWS = _N
_RG = 80
_NRG = _N // _RG
_KRG = -(-_NRG // _NS)



def _edge_body(f1_ref, gate_ref, wa_ref, wb_ref, m_ref):
    q = jnp.dot(f1_ref[...], wa_ref[...], preferred_element_type=jnp.float32)
    f = jnp.dot(q, wb_ref[...], preferred_element_type=jnp.float32)
    g = gate_ref[...]
    m1 = f * g
    m_ref[0] = m1
    m_ref[1] = m1 * g


def _edge_stage(feature1, gate_edge, W_f1a, W_f1b):
    BE = 2000
    return pl.pallas_call(
        _edge_body,
        grid=(_E // BE,),
        in_specs=[
            pl.BlockSpec((BE, _F1), lambda i: (i, 0)),
            pl.BlockSpec((BE, _H), lambda i: (i, 0)),
            pl.BlockSpec((_F1, _MID), lambda i: (0, 0)),
            pl.BlockSpec((_MID, _H), lambda i: (0, 0)),
        ],
        out_specs=pl.BlockSpec((2, BE, _H), lambda i: (0, i, 0)),
        out_shape=jax.ShapeDtypeStruct((2, _E, _H), jnp.float32),
    )(feature1, gate_edge, W_f1a, W_f1b)




def _sc_scatter_body(src_hbm, dst_hbm, m_hbm, x_hbm, out_hbm,
                     srcv, dstv, xrows, mrows, agg, sem):
    c = lax.axis_index("c")
    s = lax.axis_index("s")

    zero = jnp.zeros((16,), jnp.float32)

    def zero_row(r, carry):
        for j in range(8):
            xrows[r, pl.ds(j * 16, 16)] = zero
        return carry

    lax.fori_loop(0, _RG, zero_row, None)

    def zero_grp(k, carry):
        g = k * _NS + s

        @pl.when(g < _NRG)
        def _z():
            pltpu.sync_copy(xrows.at[pl.ds(0, _RG)],
                            agg.at[pl.ds(g * _RG, _RG)])

        return carry

    lax.fori_loop(0, _KRG, zero_grp, None)
    plsc.subcore_barrier()

    def chunk_body(k, carry):
        g = k * _NS + s

        @pl.when(g < _NCHUNK)
        def _p():
            base = g * _CB
            pltpu.sync_copy(src_hbm.at[pl.ds(base, _CB)], srcv)
            pltpu.sync_copy(dst_hbm.at[pl.ds(base, _CB)], dstv)
            pltpu.sync_copy(m_hbm.at[c, pl.ds(base, _CB)], mrows)
            pltpu.async_copy(x_hbm.at[srcv], xrows, sem).wait()

            def mul_row(r, cc):
                for j in range(8):
                    sl = pl.ds(j * 16, 16)
                    mrows[r, sl] = mrows[r, sl] * xrows[r, sl]
                return cc

            lax.fori_loop(0, _CB, mul_row, None)
            pltpu.sync_copy(mrows, agg.at[dstv], add=True)

        return carry

    lax.fori_loop(0, _KMAX, chunk_body, None)
    plsc.subcore_barrier()

    def out_grp(k, carry):
        g = k * _NS + s

        @pl.when(g < _NRG)
        def _o():
            pltpu.sync_copy(agg.at[pl.ds(g * _RG, _RG)],
                            out_hbm.at[c, pl.ds(g * _RG, _RG)])

        return carry

    lax.fori_loop(0, _KRG, out_grp, None)


def _scatter_stage(src1d, dst1d, m, x):
    f = pl.kernel(
        _sc_scatter_body,
        out_type=jax.ShapeDtypeStruct((_NC, _AROWS, _H), jnp.float32),
        mesh=plsc.VectorSubcoreMesh(core_axis_name="c", subcore_axis_name="s",
                                    num_cores=_NC, num_subcores=_NS),
        scratch_types=[
            pltpu.VMEM((_CB,), jnp.int32),
            pltpu.VMEM((_CB,), jnp.int32),
            pltpu.VMEM((_CB, _H), jnp.float32),
            pltpu.VMEM((_CB, _H), jnp.float32),
            pltpu.VMEM_SHARED((_AROWS, _H), jnp.float32),
            pltpu.SemaphoreType.DMA,
        ],
    )
    return f(src1d, dst1d, m, x)



def _leaky(v):
    return jnp.where(v > 0, v, 0.1 * v)


def _node_body(x_ref, a1_ref, a2_ref, batch_ref,
               wr1_ref, br1_ref, wo1_ref, wr2_ref, br2_ref, wo2_ref,
               wl1_ref, bl1_ref, wl2_ref, bl2_ref, wc_ref, bc_ref,
               gw_ref, gb_ref, gms_ref, out_ref):
    x = x_ref[...]
    dot = functools.partial(jnp.dot, preferred_element_type=jnp.float32)
    h1 = dot(a1_ref[0], wr1_ref[...]) + br1_ref[...] + dot(x, wo1_ref[...])
    h1 = _leaky(dot(h1, wl1_ref[...]) + bl1_ref[...])
    h2 = dot(a2_ref[0], wr2_ref[...]) + br2_ref[...] + dot(x, wo2_ref[...])
    h2 = _leaky(dot(h2, wl2_ref[...]) + bl2_ref[...])
    wc = wc_ref[...]
    h = dot(h1, wc[:_H, :]) + dot(h2, wc[_H:, :]) + bc_ref[...]

    batch = batch_ref[...]
    seg = lax.broadcasted_iota(jnp.int32, (_G, _N), 0)
    onehot = (seg == batch).astype(jnp.float32)
    cnt = jnp.maximum(jnp.sum(onehot, axis=1, keepdims=True), 1.0)
    mean = dot(onehot, h) / cnt
    mean_n = lax.dot_general(onehot, mean, (((0,), (0,)), ((), ())),
                             preferred_element_type=jnp.float32)
    out = h - mean_n * gms_ref[...]
    var = dot(onehot, out * out) / cnt
    var_n = lax.dot_general(onehot, var, (((0,), (0,)), ((), ())),
                            preferred_element_type=jnp.float32)
    out_ref[...] = gw_ref[...] * out * lax.rsqrt(var_n + 1e-5) + gb_ref[...]


def _node_stage(x, agg, batch,
                W_rel1, b_rel1, W_root1, W_rel2, b_rel2, W_root2,
                W_lin1, b_lin1, W_lin2, b_lin2, W_cat, b_cat,
                gn_weight, gn_bias, gn_mean_scale):
    row = lambda v: v.reshape(1, -1)

    def full(a):
        nd = a.ndim
        return pl.BlockSpec(a.shape, lambda i: (0,) * nd)

    args = (x, agg, agg, batch.reshape(1, _N),
            W_rel1, row(b_rel1), W_root1, W_rel2, row(b_rel2), W_root2,
            W_lin1, row(b_lin1), W_lin2, row(b_lin2), W_cat, row(b_cat),
            row(gn_weight), row(gn_bias), row(gn_mean_scale))
    specs = [full(a) for a in args]
    specs[1] = pl.BlockSpec((1, _N, _H), lambda i: (0, 0, 0))
    specs[2] = pl.BlockSpec((1, _N, _H), lambda i: (1, 0, 0))
    return pl.pallas_call(
        _node_body,
        grid=(1,),
        in_specs=specs,
        out_specs=pl.BlockSpec((_N, _H), lambda i: (0, 0)),
        out_shape=jax.ShapeDtypeStruct((_N, _H), jnp.float32),
    )(*args)


def kernel(x, gate_edge, feature1, feature2, edge_index, batch,
           W_f1a, W_f1b, W_f2a, W_f2b,
           W_rel1, b_rel1, W_root1, W_rel2, b_rel2, W_root2,
           W_lin1, b_lin1, W_lin2, b_lin2, W_cat, b_cat,
           gn_weight, gn_bias, gn_mean_scale):
    src1d = edge_index[0]
    dst1d = edge_index[1]
    m = _edge_stage(feature1, gate_edge, W_f1a, W_f1b)
    agg = _scatter_stage(src1d, dst1d, m, x)
    return _node_stage(x, agg, batch,
                       W_rel1, b_rel1, W_root1, W_rel2, b_rel2, W_root2,
                       W_lin1, b_lin1, W_lin2, b_lin2, W_cat, b_cat,
                       gn_weight, gn_bias, gn_mean_scale)

# --- scband reference (transcript-rebuilt; emitter-appended) ---
"""Pipeline reference for scband-simple-interaction-block-31525059952836 (READ-ONLY COPY).

The authoritative reference and input builder live on the scoring server;
editing this copy changes nothing except your own understanding.
"""

import jax, jax.numpy as jnp
import numpy as np

N = 10000
E = 320000
H = 128
MID = 256
F1 = 54
F2 = 18
G = 64


def setup_inputs(seed: int = 0) -> dict:
    key = jax.random.key(seed)
    ks = jax.random.split(key, 24)
    inp = {}
    inp["x"] = jax.random.normal(ks[0], (N, H), jnp.float32)
    inp["gate_edge"] = jax.random.uniform(ks[1], (E, H), jnp.float32)
    inp["feature1"] = jax.random.normal(ks[2], (E, F1), jnp.float32)
    inp["feature2"] = jax.random.normal(ks[3], (E, F2), jnp.float32)
    inp["edge_index"] = jax.random.randint(ks[4], (2, E), 0, N)
    inp["batch"] = jnp.sort(jax.random.randint(ks[5], (N,), 0, G))

    def w(k, shape, fan_in):
        return jax.random.normal(k, shape, jnp.float32) * (1.0 / np.sqrt(fan_in))

    inp["W_f1a"] = w(ks[6], (F1, MID), F1)
    inp["W_f1b"] = w(ks[7], (MID, H), MID)
    inp["W_f2a"] = w(ks[8], (F2, MID), F2)
    inp["W_f2b"] = w(ks[9], (MID, H), MID)
    inp["W_rel1"] = w(ks[10], (H, H), H)
    inp["b_rel1"] = jnp.zeros((H,), jnp.float32)
    inp["W_root1"] = w(ks[11], (H, H), H)
    inp["W_rel2"] = w(ks[12], (H, H), H)
    inp["b_rel2"] = jnp.zeros((H,), jnp.float32)
    inp["W_root2"] = w(ks[13], (H, H), H)
    inp["W_lin1"] = w(ks[14], (H, H), H)
    inp["b_lin1"] = jnp.zeros((H,), jnp.float32)
    inp["W_lin2"] = w(ks[15], (H, H), H)
    inp["b_lin2"] = jnp.zeros((H,), jnp.float32)
    inp["W_cat"] = w(ks[16], (2 * H, H), 2 * H)
    inp["b_cat"] = jnp.zeros((H,), jnp.float32)
    inp["gn_weight"] = jnp.ones((H,), jnp.float32)
    inp["gn_bias"] = jnp.zeros((H,), jnp.float32)
    inp["gn_mean_scale"] = jnp.ones((H,), jnp.float32)
    return inp


def _leaky(x):
    # torch.nn.LeakyReLU(0.1)
    return jnp.where(x > 0, x, 0.1 * x)


def _graph_conv(x, src, dst, edge_weight, W_rel, b_rel, W_root):
    # EdgeGraphConv (PyG GraphConv with message = edge_weight * x_j, aggr='add'):
    # out = lin_rel(scatter_add(edge_weight * x[src] -> dst)) + lin_root(x)
    msg = x[src] * edge_weight
    agg = jax.ops.segment_sum(msg, dst, num_segments=x.shape[0])
    return agg @ W_rel + b_rel + x @ W_root


def _graph_norm(x, batch, weight, bias, mean_scale):
    ones = jnp.ones((x.shape[0],), x.dtype)
    cnt = jnp.maximum(jax.ops.segment_sum(ones, batch, num_segments=G), 1.0)
    mean = jax.ops.segment_sum(x, batch, num_segments=G) / cnt[:, None]
    out = x - mean[batch] * mean_scale
    var = jax.ops.segment_sum(out * out, batch, num_segments=G) / cnt[:, None]
    std = jnp.sqrt(var[batch] + 1e-5)
    return weight * out / std + bias


def reference(x, gate_edge, feature1, feature2, edge_index, batch,
              W_f1a, W_f1b, W_f2a, W_f2b,
              W_rel1, b_rel1, W_root1, W_rel2, b_rel2, W_root2,
              W_lin1, b_lin1, W_lin2, b_lin2, W_cat, b_cat,
              gn_weight, gn_bias, gn_mean_scale):
    src, dst = edge_index[0], edge_index[1]
    # feature1 = lin_feature1(feature1) * gate_edge
    f1 = (feature1 @ W_f1a) @ W_f1b
    f1 = f1 * gate_edge
    h1 = _graph_conv(x, src, dst, f1, W_rel1, b_rel1, W_root1)
    h1 = _leaky(h1 @ W_lin1 + b_lin1)
    # NOTE: faithful to the original code, lin_feature2(feature2) is computed
    # and then immediately overwritten by feature1 * gate_edge (a bug kept as-is).
    f2_dead = (feature2 @ W_f2a) @ W_f2b
    f2 = f1 * gate_edge
    h2 = _graph_conv(x, src, dst, f2, W_rel2, b_rel2, W_root2)
    h2 = _leaky(h2 @ W_lin2 + b_lin2)
    h = jnp.concatenate([h1, h2], axis=1) @ W_cat + b_cat
    h = _graph_norm(h, batch, gn_weight, gn_bias, gn_mean_scale)
    return h

if __name__ == "__main__":
    import jax
    _d = setup_inputs()
    print(jax.jit(kernel)(*tuple(_d.values())))

</pallas_src>

<mosaic_0001>
#map = affine_map<(d0, d1) -> (0)>
#map1 = affine_map<(d0, d1) -> (0, 0, 0)>
#map2 = affine_map<(d0, d1) -> (0, 0)>
module attributes {stable_mosaic.version = 14 : i64} {
  func.func @_sc_scatter_body(%arg0: i32, %arg1: i32, %arg2: memref<320000xi32, #tpu.memory_space<hbm>>, %arg3: memref<320000xi32, #tpu.memory_space<hbm>>, %arg4: memref<2x320000x128xf32, #tpu.memory_space<hbm>>, %arg5: memref<10000x128xf32, #tpu.memory_space<hbm>>, %arg6: memref<2x10000x128xf32, #tpu.memory_space<hbm>>, %arg7: memref<128xi32, #tpu.memory_space<vmem>>, %arg8: memref<128xi32, #tpu.memory_space<vmem>>, %arg9: memref<128x128xf32, #tpu.memory_space<vmem>>, %arg10: memref<128x128xf32, #tpu.memory_space<vmem>>, %arg11: memref<10000x128xf32, #tpu.memory_space<vmem_shared>>, %arg12: memref<!tpu.dma_semaphore, #tpu.memory_space<semaphore_mem>>) attributes {dimension_semantics = [#tpu.dimension_semantics<core_parallel>, #tpu.dimension_semantics<subcore_parallel>], iteration_bounds = array<i64: 2, 16>, scalar_prefetch = 0 : i64, scratch_operands = 6 : i64, tpu.core_type = #tpu.core_type<sc_vector_subcore>, window_params = [{transform_indices = #map}, {transform_indices = #map}, {transform_indices = #map1}, {transform_indices = #map2}, {transform_indices = #map1}]} {
    %broadcast_in_dim3A = arith.constant 0.000000e+00 : f32
    %broadcast_in_dim3A_0 = vector.broadcast %broadcast_in_dim3A : f32 to vector<16xf32>
    %scan3A = arith.constant 0 : i32
    %scan3A_1 = arith.constant 80 : i32
    %scan3A_2 = arith.addi %scan3A, %scan3A_1 : i32
    %scan3A_3 = arith.constant 1 : i32
    scf.for %scan3A_21 = %scan3A to %scan3A_2 step %scan3A_3  : i32 {
      %swap3A = arith.index_cast %scan3A_21 : i32 to index
      %swap3A_22 = arith.constant 0 : index
      %swap3A_23 = tpu.vector_load %arg9[%swap3A, %swap3A_22] {strides = array<i32>} : memref<128x128xf32, #tpu.memory_space<vmem>>, vector<1x16xf32>,
      %swap3A_24 = vector.shape_cast %swap3A_23 : vector<1x16xf32> to vector<16xf32>
      %swap3A_25 = vector.shape_cast %broadcast_in_dim3A_0 : vector<16xf32> to vector<1x16xf32>
      tpu.vector_store %arg9[%swap3A, %swap3A_22], %swap3A_25 {strides = array<i32>} : memref<128x128xf32, #tpu.memory_space<vmem>>, vector<1x16xf32>,
      %swap3A_26 = arith.index_cast %scan3A_21 : i32 to index
      %swap3A_27 = arith.constant 16 : index
      %swap3A_28 = tpu.vector_load %arg9[%swap3A_26, %swap3A_27] {strides = array<i32>} : memref<128x128xf32, #tpu.memory_space<vmem>>, vector<1x16xf32>,
      %swap3A_29 = vector.shape_cast %swap3A_28 : vector<1x16xf32> to vector<16xf32>
      %swap3A_30 = vector.shape_cast %broadcast_in_dim3A_0 : vector<16xf32> to vector<1x16xf32>
      tpu.vector_store %arg9[%swap3A_26, %swap3A_27], %swap3A_30 {strides = array<i32>} : memref<128x128xf32, #tpu.memory_space<vmem>>, vector<1x16xf32>,
      %swap3A_31 = arith.index_cast %scan3A_21 : i32 to index
      %swap3A_32 = arith.constant 32 : index
      %swap3A_33 = tpu.vector_load %arg9[%swap3A_31, %swap3A_32] {strides = array<i32>} : memref<128x128xf32, #tpu.memory_space<vmem>>, vector<1x16xf32>,
      %swap3A_34 = vector.shape_cast %swap3A_33 : vector<1x16xf32> to vector<16xf32>
      %swap3A_35 = vector.shape_cast %broadcast_in_dim3A_0 : vector<16xf32> to vector<1x16xf32>
      tpu.vector_store %arg9[%swap3A_31, %swap3A_32], %swap3A_35 {strides = array<i32>} : memref<128x128xf32, #tpu.memory_space<vmem>>, vector<1x16xf32>,
      %swap3A_36 = arith.index_cast %scan3A_21 : i32 to index
      %swap3A_37 = arith.constant 48 : index
      %swap3A_38 = tpu.vector_load %arg9[%swap3A_36, %swap3A_37] {strides = array<i32>} : memref<128x128xf32, #tpu.memory_space<vmem>>, vector<1x16xf32>,
      %swap3A_39 = vector.shape_cast %swap3A_38 : vector<1x16xf32> to vector<16xf32>
      %swap3A_40 = vector.shape_cast %broadcast_in_dim3A_0 : vector<16xf32> to vector<1x16xf32>
      tpu.vector_store %arg9[%swap3A_36, %swap3A_37], %swap3A_40 {strides = array<i32>} : memref<128x128xf32, #tpu.memory_space<vmem>>, vector<1x16xf32>,
      %swap3A_41 = arith.index_cast %scan3A_21 : i32 to index
      %swap3A_42 = arith.constant 64 : index
      %swap3A_43 = tpu.vector_load %arg9[%swap3A_41, %swap3A_42] {strides = array<i32>} : memref<128x128xf32, #tpu.memory_space<vmem>>, vector<1x16xf32>,
      %swap3A_44 = vector.shape_cast %swap3A_43 : vector<1x16xf32> to vector<16xf32>
      %swap3A_45 = vector.shape_cast %broadcast_in_dim3A_0 : vector<16xf32> to vector<1x16xf32>
      tpu.vector_store %arg9[%swap3A_41, %swap3A_42], %swap3A_45 {strides = array<i32>} : memref<128x128xf32, #tpu.memory_space<vmem>>, vector<1x16xf32>,
      %swap3A_46 = arith.index_cast %scan3A_21 : i32 to index
      %swap3A_47 = arith.constant 80 : index
      %swap3A_48 = tpu.vector_load %arg9[%swap3A_46, %swap3A_47] {strides = array<i32>} : memref<128x128xf32, #tpu.memory_space<vmem>>, vector<1x16xf32>,
      %swap3A_49 = vector.shape_cast %swap3A_48 : vector<1x16xf32> to vector<16xf32>
      %swap3A_50 = vector.shape_cast %broadcast_in_dim3A_0 : vector<16xf32> to vector<1x16xf32>
      tpu.vector_store %arg9[%swap3A_46, %swap3A_47], %swap3A_50 {strides = array<i32>} : memref<128x128xf32, #tpu.memory_space<vmem>>, vector<1x16xf32>,
      %swap3A_51 = arith.index_cast %scan3A_21 : i32 to index
      %swap3A_52 = arith.constant 96 : index
      %swap3A_53 = tpu.vector_load %arg9[%swap3A_51, %swap3A_52] {strides = array<i32>} : memref<128x128xf32, #tpu.memory_space<vmem>>, vector<1x16xf32>,
      %swap3A_54 = vector.shape_cast %swap3A_53 : vector<1x16xf32> to vector<16xf32>
      %swap3A_55 = vector.shape_cast %broadcast_in_dim3A_0 : vector<16xf32> to vector<1x16xf32>
      tpu.vector_store %arg9[%swap3A_51, %swap3A_52], %swap3A_55 {strides = array<i32>} : memref<128x128xf32, #tpu.memory_space<vmem>>, vector<1x16xf32>,
      %swap3A_56 = arith.index_cast %scan3A_21 : i32 to index
      %swap3A_57 = arith.constant 112 : index
      %swap3A_58 = tpu.vector_load %arg9[%swap3A_56, %swap3A_57] {strides = array<i32>} : memref<128x128xf32, #tpu.memory_space<vmem>>, vector<1x16xf32>,
      %swap3A_59 = vector.shape_cast %swap3A_58 : vector<1x16xf32> to vector<16xf32>
      %swap3A_60 = vector.shape_cast %broadcast_in_dim3A_0 : vector<16xf32> to vector<1x16xf32>
      tpu.vector_store %arg9[%swap3A_56, %swap3A_57], %swap3A_60 {strides = array<i32>} : memref<128x128xf32, #tpu.memory_space<vmem>>, vector<1x16xf32>,
    }
    %scan3A_4 = arith.constant 80 : i32
    %scan3A_5 = arith.constant 0 : i32
    %scan3A_6 = arith.constant 8 : i32
    %scan3A_7 = arith.addi %scan3A_5, %scan3A_6 : i32
    %scan3A_8 = arith.constant 1 : i32
    scf.for %scan3A_21 = %scan3A_5 to %scan3A_7 step %scan3A_8  : i32 {
      %mul3A = arith.constant 16 : i32
      %mul3A_22 = arith.muli %scan3A_21, %mul3A : i32
      %add3A = arith.addi %mul3A_22, %arg1 : i32
      %lt3A = arith.constant 125 : i32
      %lt3A_23 = arith.cmpi slt, %add3A, %lt3A : i32
      %convert_element_type3A = arith.extui %lt3A_23 : i1 to i32
      %cond3A = arith.constant 0 : i32
      %cond3A_24 = arith.cmpi ne, %convert_element_type3A, %cond3A : i32
      scf.if %cond3A_24 {
        %mul3A_25 = arith.constant 80 : i32
        %mul3A_26 = arith.muli %add3A, %mul3A_25 : i32
        "tpu.region"() ({
          %run_scoped3A = tpu.sem_alloc : memref<!tpu.dma_semaphore, #tpu.memory_space<semaphore_mem>>
          %dma_start3A = arith.constant 0 : i32
          %dma_start3A_27 = arith.constant 0 : i32
          %dma_start3A_28 = tpu.memref_slice %arg9[%dma_start3A, %dma_start3A_27] : memref<128x128xf32, #tpu.memory_space<vmem>> -> memref<80x128xf32, #tpu.memory_space<vmem>>
          %dma_start3A_29 = arith.constant 0 : i32
          %dma_start3A_30 = tpu.memref_slice %arg11[%mul3A_26, %dma_start3A_29] : memref<10000x128xf32, #tpu.memory_space<vmem_shared>> -> memref<80x128xf32, #tpu.memory_space<vmem_shared>>
          %dma_start3A_31 = arith.constant 0 : i32
          %dma_start3A_32 = tpu.memref_slice %arg11[%mul3A_26, %dma_start3A_31] : memref<10000x128xf32, #tpu.memory_space<vmem_shared>> -> memref<80x128xf32, #tpu.memory_space<vmem_shared>>
          %dma_start3A_33 = arith.constant 0 : i32
          %dma_start3A_34 = arith.constant 0 : i32
          %dma_start3A_35 = tpu.memref_slice %arg9[%dma_start3A_33, %dma_start3A_34] : memref<128x128xf32, #tpu.memory_space<vmem>> -> memref<80x128xf32, #tpu.memory_space<vmem>>
          tpu.enqueue_dma source(%dma_start3A_35 : memref<80x128xf32, #tpu.memory_space<vmem>>) target(%dma_start3A_32 : memref<80x128xf32, #tpu.memory_space<vmem_shared>>) target_semaphore(%run_scoped3A : memref<!tpu.dma_semaphore, #tpu.memory_space<semaphore_mem>>)
          %dma_wait3A = arith.constant 0 : i32
          %dma_wait3A_36 = arith.constant 0 : i32
          %dma_wait3A_37 = tpu.memref_slice %arg9[%dma_wait3A, %dma_wait3A_36] : memref<128x128xf32, #tpu.memory_space<vmem>> -> memref<80x128xf32, #tpu.memory_space<vmem>>
          %dma_wait3A_38 = arith.constant 0 : i32
          %dma_wait3A_39 = tpu.memref_slice %arg11[%mul3A_26, %dma_wait3A_38] : memref<10000x128xf32, #tpu.memory_space<vmem_shared>> -> memref<80x128xf32, #tpu.memory_space<vmem_shared>>
          %dma_wait3A_40 = arith.constant 0 : i32
          %dma_wait3A_41 = tpu.memref_slice %arg11[%mul3A_26, %dma_wait3A_40] : memref<10000x128xf32, #tpu.memory_space<vmem_shared>> -> memref<80x128xf32, #tpu.memory_space<vmem_shared>>
          %dma_wait3A_42 = arith.constant 0 : i32
          %dma_wait3A_43 = arith.constant 0 : i32
          %dma_wait3A_44 = tpu.memref_slice %arg9[%dma_wait3A_42, %dma_wait3A_43] : memref<128x128xf32, #tpu.memory_space<vmem>> -> memref<80x128xf32, #tpu.memory_space<vmem>>
          tpu.wait_dma2 semaphore(%run_scoped3A : memref<!tpu.dma_semaphore, #tpu.memory_space<semaphore_mem>>) src(%dma_wait3A_44 : memref<80x128xf32, #tpu.memory_space<vmem>>) dst(%dma_wait3A_41 : memref<80x128xf32, #tpu.memory_space<vmem_shared>>)
          tpu.yield
        }) : () -> ()
      } else {
      }
    }
    %scan3A_9 = arith.constant 8 : i32
    %barrier3A = arith.constant 0 : index
    tpu.barrier barrier_id(%barrier3A)
    %scan3A_10 = arith.constant 0 : i32
    %scan3A_11 = arith.constant 157 : i32
    %scan3A_12 = arith.addi %scan3A_10, %scan3A_11 : i32
    %scan3A_13 = arith.constant 1 : i32
    scf.for %scan3A_21 = %scan3A_10 to %scan3A_12 step %scan3A_13  : i32 {
      %mul3A = arith.constant 16 : i32
      %mul3A_22 = arith.muli %scan3A_21, %mul3A : i32
      %add3A = arith.addi %mul3A_22, %arg1 : i32
      %lt3A = arith.constant 2500 : i32
      %lt3A_23 = arith.cmpi slt, %add3A, %lt3A : i32
      %convert_element_type3A = arith.extui %lt3A_23 : i1 to i32
      %cond3A = arith.constant 0 : i32
      %cond3A_24 = arith.cmpi ne, %convert_element_type3A, %cond3A : i32
      scf.if %cond3A_24 {
        %mul3A_25 = arith.constant 128 : i32
        %mul3A_26 = arith.muli %add3A, %mul3A_25 : i32
        "tpu.region"() ({
          %run_scoped3A = tpu.sem_alloc : memref<!tpu.dma_semaphore, #tpu.memory_space<semaphore_mem>>
          %dma_start3A_36 = tpu.memref_slice %arg2[%mul3A_26] : memref<320000xi32, #tpu.memory_space<hbm>> -> memref<128xi32, #tpu.memory_space<hbm>>
          %dma_start3A_37 = tpu.memref_slice %arg2[%mul3A_26] : memref<320000xi32, #tpu.memory_space<hbm>> -> memref<128xi32, #tpu.memory_space<hbm>>
          tpu.enqueue_dma source(%dma_start3A_37 : memref<128xi32, #tpu.memory_space<hbm>>) target(%arg7 : memref<128xi32, #tpu.memory_space<vmem>>) target_semaphore(%run_scoped3A : memref<!tpu.dma_semaphore, #tpu.memory_space<semaphore_mem>>)
          %dma_wait3A_38 = tpu.memref_slice %arg2[%mul3A_26] : memref<320000xi32, #tpu.memory_space<hbm>> -> memref<128xi32, #tpu.memory_space<hbm>>
          %dma_wait3A_39 = tpu.memref_slice %arg2[%mul3A_26] : memref<320000xi32, #tpu.memory_space<hbm>> -> memref<128xi32, #tpu.memory_space<hbm>>
          tpu.wait_dma2 semaphore(%run_scoped3A : memref<!tpu.dma_semaphore, #tpu.memory_space<semaphore_mem>>) src(%dma_wait3A_39 : memref<128xi32, #tpu.memory_space<hbm>>) dst(%arg7 : memref<128xi32, #tpu.memory_space<vmem>>)
          tpu.yield
        }) : () -> ()
        "tpu.region"() ({
          %run_scoped3A = tpu.sem_alloc : memref<!tpu.dma_semaphore, #tpu.memory_space<semaphore_mem>>
          %dma_start3A_36 = tpu.memref_slice %arg3[%mul3A_26] : memref<320000xi32, #tpu.memory_space<hbm>> -> memref<128xi32, #tpu.memory_space<hbm>>
          %dma_start3A_37 = tpu.memref_slice %arg3[%mul3A_26] : memref<320000xi32, #tpu.memory_space<hbm>> -> memref<128xi32, #tpu.memory_space<hbm>>
          tpu.enqueue_dma source(%dma_start3A_37 : memref<128xi32, #tpu.memory_space<hbm>>) target(%arg8 : memref<128xi32, #tpu.memory_space<vmem>>) target_semaphore(%run_scoped3A : memref<!tpu.dma_semaphore, #tpu.memory_space<semaphore_mem>>)
          %dma_wait3A_38 = tpu.memref_slice %arg3[%mul3A_26] : memref<320000xi32, #tpu.memory_space<hbm>> -> memref<128xi32, #tpu.memory_space<hbm>>
          %dma_wait3A_39 = tpu.memref_slice %arg3[%mul3A_26] : memref<320000xi32, #tpu.memory_space<hbm>> -> memref<128xi32, #tpu.memory_space<hbm>>
          tpu.wait_dma2 semaphore(%run_scoped3A : memref<!tpu.dma_semaphore, #tpu.memory_space<semaphore_mem>>) src(%dma_wait3A_39 : memref<128xi32, #tpu.memory_space<hbm>>) dst(%arg8 : memref<128xi32, #tpu.memory_space<vmem>>)
          tpu.yield
        }) : () -> ()
        "tpu.region"() ({
          %run_scoped3A = tpu.sem_alloc : memref<!tpu.dma_semaphore, #tpu.memory_space<semaphore_mem>>
          %dma_start3A_36 = arith.constant 0 : i32
          %dma_start3A_37 = tpu.memref_slice %arg4[%arg0, %mul3A_26, %dma_start3A_36] : memref<2x320000x128xf32, #tpu.memory_space<hbm>> -> memref<1x128x128xf32, #tpu.memory_space<hbm>>
          %dma_start3A_38 = tpu.memref_squeeze %dma_start3A_37 : memref<1x128x128xf32, #tpu.memory_space<hbm>> -> memref<128x128xf32, #tpu.memory_space<hbm>>
          %dma_start3A_39 = arith.constant 0 : i32
          %dma_start3A_40 = tpu.memref_slice %arg4[%arg0, %mul3A_26, %dma_start3A_39] : memref<2x320000x128xf32, #tpu.memory_space<hbm>> -> memref<1x128x128xf32, #tpu.memory_space<hbm>>
          %dma_start3A_41 = tpu.memref_squeeze %dma_start3A_40 : memref<1x128x128xf32, #tpu.memory_space<hbm>> -> memref<128x128xf32, #tpu.memory_space<hbm>>
          tpu.enqueue_dma source(%dma_start3A_41 : memref<128x128xf32, #tpu.memory_space<hbm>>) target(%arg10 : memref<128x128xf32, #tpu.memory_space<vmem>>) target_semaphore(%run_scoped3A : memref<!tpu.dma_semaphore, #tpu.memory_space<semaphore_mem>>)
          %dma_wait3A_42 = arith.constant 0 : i32
          %dma_wait3A_43 = tpu.memref_slice %arg4[%arg0, %mul3A_26, %dma_wait3A_42] : memref<2x320000x128xf32, #tpu.memory_space<hbm>> -> memref<1x128x128xf32, #tpu.memory_space<hbm>>
          %dma_wait3A_44 = tpu.memref_squeeze %dma_wait3A_43 : memref<1x128x128xf32, #tpu.memory_space<hbm>> -> memref<128x128xf32, #tpu.memory_space<hbm>>
          %dma_wait3A_45 = arith.constant 0 : i32
          %dma_wait3A_46 = tpu.memref_slice %arg4[%arg0, %mul3A_26, %dma_wait3A_45] : memref<2x320000x128xf32, #tpu.memory_space<hbm>> -> memref<1x128x128xf32, #tpu.memory_space<hbm>>
          %dma_wait3A_47 = tpu.memref_squeeze %dma_wait3A_46 : memref<1x128x128xf32, #tpu.memory_space<hbm>> -> memref<128x128xf32, #tpu.memory_space<hbm>>
          tpu.wait_dma2 semaphore(%run_scoped3A : memref<!tpu.dma_semaphore, #tpu.memory_space<semaphore_mem>>) src(%dma_wait3A_47 : memref<128x128xf32, #tpu.memory_space<hbm>>) dst(%arg10 : memref<128x128xf32, #tpu.memory_space<vmem>>)
          tpu.yield
        }) : () -> ()
        %dma_start3A = arith.constant 0 : i32
        %dma_start3A_27 = arith.constant 0 : i32
        %dma_start3A_28 = tpu.memref_slice %arg5[%dma_start3A, %dma_start3A_27] : memref<10000x128xf32, #tpu.memory_space<hbm>> -> memref<10000x128xf32, #tpu.memory_space<hbm>>
        tpu.enqueue_indirect_dma source(%dma_start3A_28 : memref<10000x128xf32, #tpu.memory_space<hbm>>) target(%arg9 : memref<128x128xf32, #tpu.memory_space<vmem>>) offsets(%arg7 : memref<128xi32, #tpu.memory_space<vmem>>) semaphore(%arg12 : memref<!tpu.dma_semaphore, #tpu.memory_space<semaphore_mem>>)
        %dma_wait3A = arith.constant 0 : i32
        %dma_wait3A_29 = arith.constant 0 : i32
        %dma_wait3A_30 = tpu.memref_slice %arg5[%dma_wait3A, %dma_wait3A_29] : memref<10000x128xf32, #tpu.memory_space<hbm>> -> memref<10000x128xf32, #tpu.memory_space<hbm>>
        tpu.wait_indirect_dma semaphore(%arg12 : memref<!tpu.dma_semaphore, #tpu.memory_space<semaphore_mem>>) src(%dma_wait3A_30 : memref<10000x128xf32, #tpu.memory_space<hbm>>) dst(%arg9 : memref<128x128xf32, #tpu.memory_space<vmem>>)
        %scan3A_31 = arith.constant 0 : i32
        %scan3A_32 = arith.constant 128 : i32
        %scan3A_33 = arith.addi %scan3A_31, %scan3A_32 : i32
        %scan3A_34 = arith.constant 1 : i32
        scf.for %scan3A_36 = %scan3A_31 to %scan3A_33 step %scan3A_34  : i32 {
          %get3A = arith.index_cast %scan3A_36 : i32 to index
          %get3A_37 = arith.constant 0 : index
          %get3A_38 = tpu.vector_load %arg10[%get3A, %get3A_37] {strides = array<i32>} : memref<128x128xf32, #tpu.memory_space<vmem>>, vector<1x16xf32>,
          %get3A_39 = vector.shape_cast %get3A_38 : vector<1x16xf32> to vector<16xf32>
          %get3A_40 = arith.index_cast %scan3A_36 : i32 to index
          %get3A_41 = arith.constant 0 : index
          %get3A_42 = tpu.vector_load %arg9[%get3A_40, %get3A_41] {strides = array<i32>} : memref<128x128xf32, #tpu.memory_space<vmem>>, vector<1x16xf32>,
          %get3A_43 = vector.shape_cast %get3A_42 : vector<1x16xf32> to vector<16xf32>
          %mul3A_44 = arith.mulf %get3A_39, %get3A_43 : vector<16xf32>
          %swap3A = arith.index_cast %scan3A_36 : i32 to index
          %swap3A_45 = arith.constant 0 : index
          %swap3A_46 = tpu.vector_load %arg10[%swap3A, %swap3A_45] {strides = array<i32>} : memref<128x128xf32, #tpu.memory_space<vmem>>, vector<1x16xf32>,
          %swap3A_47 = vector.shape_cast %swap3A_46 : vector<1x16xf32> to vector<16xf32>
          %swap3A_48 = vector.shape_cast %mul3A_44 : vector<16xf32> to vector<1x16xf32>
          tpu.vector_store %arg10[%swap3A, %swap3A_45], %swap3A_48 {strides = array<i32>} : memref<128x128xf32, #tpu.memory_space<vmem>>, vector<1x16xf32>,
          %get3A_49 = arith.index_cast %scan3A_36 : i32 to index
          %get3A_50 = arith.constant 16 : index
          %get3A_51 = tpu.vector_load %arg10[%get3A_49, %get3A_50] {strides = array<i32>} : memref<128x128xf32, #tpu.memory_space<vmem>>, vector<1x16xf32>,
          %get3A_52 = vector.shape_cast %get3A_51 : vector<1x16xf32> to vector<16xf32>
          %get3A_53 = arith.index_cast %scan3A_36 : i32 to index
          %get3A_54 = arith.constant 16 : index
          %get3A_55 = tpu.vector_load %arg9[%get3A_53, %get3A_54] {strides = array<i32>} : memref<128x128xf32, #tpu.memory_space<vmem>>, vector<1x16xf32>,
          %get3A_56 = vector.shape_cast %get3A_55 : vector<1x16xf32> to vector<16xf32>
          %mul3A_57 = arith.mulf %get3A_52, %get3A_56 : vector<16xf32>
          %swap3A_58 = arith.index_cast %scan3A_36 : i32 to index
          %swap3A_59 = arith.constant 16 : index
          %swap3A_60 = tpu.vector_load %arg10[%swap3A_58, %swap3A_59] {strides = array<i32>} : memref<128x128xf32, #tpu.memory_space<vmem>>, vector<1x16xf32>,
          %swap3A_61 = vector.shape_cast %swap3A_60 : vector<1x16xf32> to vector<16xf32>
          %swap3A_62 = vector.shape_cast %mul3A_57 : vector<16xf32> to vector<1x16xf32>
          tpu.vector_store %arg10[%swap3A_58, %swap3A_59], %swap3A_62 {strides = array<i32>} : memref<128x128xf32, #tpu.memory_space<vmem>>, vector<1x16xf32>,
          %get3A_63 = arith.index_cast %scan3A_36 : i32 to index
          %get3A_64 = arith.constant 32 : index
          %get3A_65 = tpu.vector_load %arg10[%get3A_63, %get3A_64] {strides = array<i32>} : memref<128x128xf32, #tpu.memory_space<vmem>>, vector<1x16xf32>,
          %get3A_66 = vector.shape_cast %get3A_65 : vector<1x16xf32> to vector<16xf32>
          %get3A_67 = arith.index_cast %scan3A_36 : i32 to index
          %get3A_68 = arith.constant 32 : index
          %get3A_69 = tpu.vector_load %arg9[%get3A_67, %get3A_68] {strides = array<i32>} : memref<128x128xf32, #tpu.memory_space<vmem>>, vector<1x16xf32>,
          %get3A_70 = vector.shape_cast %get3A_69 : vector<1x16xf32> to vector<16xf32>
          %mul3A_71 = arith.mulf %get3A_66, %get3A_70 : vector<16xf32>
          %swap3A_72 = arith.index_cast %scan3A_36 : i32 to index
          %swap3A_73 = arith.constant 32 : index
          %swap3A_74 = tpu.vector_load %arg10[%swap3A_72, %swap3A_73] {strides = array<i32>} : memref<128x128xf32, #tpu.memory_space<vmem>>, vector<1x16xf32>,
          %swap3A_75 = vector.shape_cast %swap3A_74 : vector<1x16xf32> to vector<16xf32>
          %swap3A_76 = vector.shape_cast %mul3A_71 : vector<16xf32> to vector<1x16xf32>
          tpu.vector_store %arg10[%swap3A_72, %swap3A_73], %swap3A_76 {strides = array<i32>} : memref<128x128xf32, #tpu.memory_space<vmem>>, vector<1x16xf32>,
          %get3A_77 = arith.index_cast %scan3A_36 : i32 to index
          %get3A_78 = arith.constant 48 : index
          %get3A_79 = tpu.vector_load %arg10[%get3A_77, %get3A_78] {strides = array<i32>} : memref<128x128xf32, #tpu.memory_space<vmem>>, vector<1x16xf32>,
          %get3A_80 = vector.shape_cast %get3A_79 : vector<1x16xf32> to vector<16xf32>
          %get3A_81 = arith.index_cast %scan3A_36 : i32 to index
          %get3A_82 = arith.constant 48 : index
          %get3A_83 = tpu.vector_load %arg9[%get3A_81, %get3A_82] {strides = array<i32>} : memref<128x128xf32, #tpu.memory_space<vmem>>, vector<1x16xf32>,
          %get3A_84 = vector.shape_cast %get3A_83 : vector<1x16xf32> to vector<16xf32>
          %mul3A_85 = arith.mulf %get3A_80, %get3A_84 : vector<16xf32>
          %swap3A_86 = arith.index_cast %scan3A_36 : i32 to index
          %swap3A_87 = arith.constant 48 : index
          %swap3A_88 = tpu.vector_load %arg10[%swap3A_86, %swap3A_87] {strides = array<i32>} : memref<128x128xf32, #tpu.memory_space<vmem>>, vector<1x16xf32>,
          %swap3A_89 = vector.shape_cast %swap3A_88 : vector<1x16xf32> to vector<16xf32>
          %swap3A_90 = vector.shape_cast %mul3A_85 : vector<16xf32> to vector<1x16xf32>
          tpu.vector_store %arg10[%swap3A_86, %swap3A_87], %swap3A_90 {strides = array<i32>} : memref<128x128xf32, #tpu.memory_space<vmem>>, vector<1x16xf32>,
          %get3A_91 = arith.index_cast %scan3A_36 : i32 to index
          %get3A_92 = arith.constant 64 : index
          %get3A_93 = tpu.vector_load %arg10[%get3A_91, %get3A_92] {strides = array<i32>} : memref<128x128xf32, #tpu.memory_space<vmem>>, vector<1x16xf32>,
          %get3A_94 = vector.shape_cast %get3A_93 : vector<1x16xf32> to vector<16xf32>
          %get3A_95 = arith.index_cast %scan3A_36 : i32 to index
          %get3A_96 = arith.constant 64 : index
          %get3A_97 = tpu.vector_load %arg9[%get3A_95, %get3A_96] {strides = array<i32>} : memref<128x128xf32, #tpu.memory_space<vmem>>, vector<1x16xf32>,
          %get3A_98 = vector.shape_cast %get3A_97 : vector<1x16xf32> to vector<16xf32>
          %mul3A_99 = arith.mulf %get3A_94, %get3A_98 : vector<16xf32>
          %swap3A_100 = arith.index_cast %scan3A_36 : i32 to index
          %swap3A_101 = arith.constant 64 : index
          %swap3A_102 = tpu.vector_load %arg10[%swap3A_100, %swap3A_101] {strides = array<i32>} : memref<128x128xf32, #tpu.memory_space<vmem>>, vector<1x16xf32>,
          %swap3A_103 = vector.shape_cast %swap3A_102 : vector<1x16xf32> to vector<16xf32>
          %swap3A_104 = vector.shape_cast %mul3A_99 : vector<16xf32> to vector<1x16xf32>
          tpu.vector_store %arg10[%swap3A_100, %swap3A_101], %swap3A_104 {strides = array<i32>} : memref<128x128xf32, #tpu.memory_space<vmem>>, vector<1x16xf32>,
          %get3A_105 = arith.index_cast %scan3A_36 : i32 to index
          %get3A_106 = arith.constant 80 : index
          %get3A_107 = tpu.vector_load %arg10[%get3A_105, %get3A_106] {strides = array<i32>} : memref<128x128xf32, #tpu.memory_space<vmem>>, vector<1x16xf32>,
          %get3A_108 = vector.shape_cast %get3A_107 : vector<1x16xf32> to vector<16xf32>
          %get3A_109 = arith.index_cast %scan3A_36 : i32 to index
          %get3A_110 = arith.constant 80 : index
          %get3A_111 = tpu.vector_load %arg9[%get3A_109, %get3A_110] {strides = array<i32>} : memref<128x128xf32, #tpu.memory_space<vmem>>, vector<1x16xf32>,
          %get3A_112 = vector.shape_cast %get3A_111 : vector<1x16xf32> to vector<16xf32>
          %mul3A_113 = arith.mulf %get3A_108, %get3A_112 : vector<16xf32>
          %swap3A_114 = arith.index_cast %scan3A_36 : i32 to index
          %swap3A_115 = arith.constant 80 : index
          %swap3A_116 = tpu.vector_load %arg10[%swap3A_114, %swap3A_115] {strides = array<i32>} : memref<128x128xf32, #tpu.memory_space<vmem>>, vector<1x16xf32>,
          %swap3A_117 = vector.shape_cast %swap3A_116 : vector<1x16xf32> to vector<16xf32>
          %swap3A_118 = vector.shape_cast %mul3A_113 : vector<16xf32> to vector<1x16xf32>
          tpu.vector_store %arg10[%swap3A_114, %swap3A_115], %swap3A_118 {strides = array<i32>} : memref<128x128xf32, #tpu.memory_space<vmem>>, vector<1x16xf32>,
          %get3A_119 = arith.index_cast %scan3A_36 : i32 to index
          %get3A_120 = arith.constant 96 : index
          %get3A_121 = tpu.vector_load %arg10[%get3A_119, %get3A_120] {strides = array<i32>} : memref<128x128xf32, #tpu.memory_space<vmem>>, vector<1x16xf32>,
          %get3A_122 = vector.shape_cast %get3A_121 : vector<1x16xf32> to vector<16xf32>
          %get3A_123 = arith.index_cast %scan3A_36 : i32 to index
          %get3A_124 = arith.constant 96 : index
          %get3A_125 = tpu.vector_load %arg9[%get3A_123, %get3A_124] {strides = array<i32>} : memref<128x128xf32, #tpu.memory_space<vmem>>, vector<1x16xf32>,
          %get3A_126 = vector.shape_cast %get3A_125 : vector<1x16xf32> to vector<16xf32>
          %mul3A_127 = arith.mulf %get3A_122, %get3A_126 : vector<16xf32>
          %swap3A_128 = arith.index_cast %scan3A_36 : i32 to index
          %swap3A_129 = arith.constant 96 : index
          %swap3A_130 = tpu.vector_load %arg10[%swap3A_128, %swap3A_129] {strides = array<i32>} : memref<128x128xf32, #tpu.memory_space<vmem>>, vector<1x16xf32>,
          %swap3A_131 = vector.shape_cast %swap3A_130 : vector<1x16xf32> to vector<16xf32>
          %swap3A_132 = vector.shape_cast %mul3A_127 : vector<16xf32> to vector<1x16xf32>
          tpu.vector_store %arg10[%swap3A_128, %swap3A_129], %swap3A_132 {strides = array<i32>} : memref<128x128xf32, #tpu.memory_space<vmem>>, vector<1x16xf32>,
          %get3A_133 = arith.index_cast %scan3A_36 : i32 to index
          %get3A_134 = arith.constant 112 : index
          %get3A_135 = tpu.vector_load %arg10[%get3A_133, %get3A_134] {strides = array<i32>} : memref<128x128xf32, #tpu.memory_space<vmem>>, vector<1x16xf32>,
          %get3A_136 = vector.shape_cast %get3A_135 : vector<1x16xf32> to vector<16xf32>
          %get3A_137 = arith.index_cast %scan3A_36 : i32 to index
          %get3A_138 = arith.constant 112 : index
          %get3A_139 = tpu.vector_load %arg9[%get3A_137, %get3A_138] {strides = array<i32>} : memref<128x128xf32, #tpu.memory_space<vmem>>, vector<1x16xf32>,
          %get3A_140 = vector.shape_cast %get3A_139 : vector<1x16xf32> to vector<16xf32>
          %mul3A_141 = arith.mulf %get3A_136, %get3A_140 : vector<16xf32>
          %swap3A_142 = arith.index_cast %scan3A_36 : i32 to index
          %swap3A_143 = arith.constant 112 : index
          %swap3A_144 = tpu.vector_load %arg10[%swap3A_142, %swap3A_143] {strides = array<i32>} : memref<128x128xf32, #tpu.memory_space<vmem>>, vector<1x16xf32>,
          %swap3A_145 = vector.shape_cast %swap3A_144 : vector<1x16xf32> to vector<16xf32>
          %swap3A_146 = vector.shape_cast %mul3A_141 : vector<16xf32> to vector<1x16xf32>
          tpu.vector_store %arg10[%swap3A_142, %swap3A_143], %swap3A_146 {strides = array<i32>} : memref<128x128xf32, #tpu.memory_space<vmem>>, vector<1x16xf32>,
        }
        %scan3A_35 = arith.constant 128 : i32
        "tpu.region"() ({
          %run_scoped3A = tpu.sem_alloc : memref<!tpu.dma_semaphore, #tpu.memory_space<semaphore_mem>>
          %dma_start3A_36 = arith.constant 0 : i32
          %dma_start3A_37 = arith.constant 0 : i32
          %dma_start3A_38 = tpu.memref_slice %arg11[%dma_start3A_36, %dma_start3A_37] : memref<10000x128xf32, #tpu.memory_space<vmem_shared>> -> memref<10000x128xf32, #tpu.memory_space<vmem_shared>>
          tpu.enqueue_indirect_dma source(%arg10 : memref<128x128xf32, #tpu.memory_space<vmem>>) target(%dma_start3A_38 : memref<10000x128xf32, #tpu.memory_space<vmem_shared>>) offsets(%arg8 : memref<128xi32, #tpu.memory_space<vmem>>) semaphore(%run_scoped3A : memref<!tpu.dma_semaphore, #tpu.memory_space<semaphore_mem>>) {add = true}
          %dma_wait3A_39 = arith.constant 0 : i32
          %dma_wait3A_40 = arith.constant 0 : i32
          %dma_wait3A_41 = tpu.memref_slice %arg11[%dma_wait3A_39, %dma_wait3A_40] : memref<10000x128xf32, #tpu.memory_space<vmem_shared>> -> memref<10000x128xf32, #tpu.memory_space<vmem_shared>>
          tpu.wait_indirect_dma semaphore(%run_scoped3A : memref<!tpu.dma_semaphore, #tpu.memory_space<semaphore_mem>>) src(%arg10 : memref<128x128xf32, #tpu.memory_space<vmem>>) dst(%dma_wait3A_41 : memref<10000x128xf32, #tpu.memory_space<vmem_shared>>)
          tpu.yield
        }) : () -> ()
      } else {
      }
    }
    %scan3A_14 = arith.constant 157 : i32
    %barrier3A_15 = arith.constant 0 : index
    tpu.barrier barrier_id(%barrier3A_15)
    %scan3A_16 = arith.constant 0 : i32
    %scan3A_17 = arith.constant 8 : i32
    %scan3A_18 = arith.addi %scan3A_16, %scan3A_17 : i32
    %scan3A_19 = arith.constant 1 : i32
    scf.for %scan3A_21 = %scan3A_16 to %scan3A_18 step %scan3A_19  : i32 {
      %mul3A = arith.constant 16 : i32
      %mul3A_22 = arith.muli %scan3A_21, %mul3A : i32
      %add3A = arith.addi %mul3A_22, %arg1 : i32
      %lt3A = arith.constant 125 : i32
      %lt3A_23 = arith.cmpi slt, %add3A, %lt3A : i32
      %convert_element_type3A = arith.extui %lt3A_23 : i1 to i32
      %cond3A = arith.constant 0 : i32
      %cond3A_24 = arith.cmpi ne, %convert_element_type3A, %cond3A : i32
      scf.if %cond3A_24 {
        %mul3A_25 = arith.constant 80 : i32
        %mul3A_26 = arith.muli %add3A, %mul3A_25 : i32
        %mul3A_27 = arith.constant 80 : i32
        %mul3A_28 = arith.muli %add3A, %mul3A_27 : i32
        "tpu.region"() ({
          %run_scoped3A = tpu.sem_alloc : memref<!tpu.dma_semaphore, #tpu.memory_space<semaphore_mem>>
          %dma_start3A = arith.constant 0 : i32
          %dma_start3A_29 = tpu.memref_slice %arg6[%arg0, %mul3A_28, %dma_start3A] : memref<2x10000x128xf32, #tpu.memory_space<hbm>> -> memref<1x80x128xf32, #tpu.memory_space<hbm>>
          %dma_start3A_30 = tpu.memref_squeeze %dma_start3A_29 : memref<1x80x128xf32, #tpu.memory_space<hbm>> -> memref<80x128xf32, #tpu.memory_space<hbm>>
          %dma_start3A_31 = arith.constant 0 : i32
          %dma_start3A_32 = tpu.memref_slice %arg11[%mul3A_26, %dma_start3A_31] : memref<10000x128xf32, #tpu.memory_space<vmem_shared>> -> memref<80x128xf32, #tpu.memory_space<vmem_shared>>
          tpu.enqueue_dma source(%dma_start3A_32 : memref<80x128xf32, #tpu.memory_space<vmem_shared>>) target(%dma_start3A_30 : memref<80x128xf32, #tpu.memory_space<hbm>>) target_semaphore(%run_scoped3A : memref<!tpu.dma_semaphore, #tpu.memory_space<semaphore_mem>>)
          %dma_wait3A = arith.constant 0 : i32
          %dma_wait3A_33 = tpu.memref_slice %arg6[%arg0, %mul3A_28, %dma_wait3A] : memref<2x10000x128xf32, #tpu.memory_space<hbm>> -> memref<1x80x128xf32, #tpu.memory_space<hbm>>
          %dma_wait3A_34 = tpu.memref_squeeze %dma_wait3A_33 : memref<1x80x128xf32, #tpu.memory_space<hbm>> -> memref<80x128xf32, #tpu.memory_space<hbm>>
          %dma_wait3A_35 = arith.constant 0 : i32
          %dma_wait3A_36 = tpu.memref_slice %arg11[%mul3A_26, %dma_wait3A_35] : memref<10000x128xf32, #tpu.memory_space<vmem_shared>> -> memref<80x128xf32, #tpu.memory_space<vmem_shared>>
          tpu.wait_dma2 semaphore(%run_scoped3A : memref<!tpu.dma_semaphore, #tpu.memory_space<semaphore_mem>>) src(%dma_wait3A_36 : memref<80x128xf32, #tpu.memory_space<vmem_shared>>) dst(%dma_wait3A_34 : memref<80x128xf32, #tpu.memory_space<hbm>>)
          tpu.yield
        }) : () -> ()
      } else {
      }
    }
    %scan3A_20 = arith.constant 8 : i32
    return
  }
}

module attributes {stable_mosaic.version = 14 : i64} {
  func.func @_node_body(%arg0: i32, %arg1: memref<10000x128xf32, #tpu.memory_space<vmem>>, %arg2: memref<1x10000x128xf32, #tpu.memory_space<vmem>>, %arg3: memref<1x10000x128xf32, #tpu.memory_space<vmem>>, %arg4: memref<1x10000xi32, #tpu.memory_space<vmem>>, %arg5: memref<128x128xf32, #tpu.memory_space<vmem>>, %arg6: memref<1x128xf32, #tpu.memory_space<vmem>>, %arg7: memref<128x128xf32, #tpu.memory_space<vmem>>, %arg8: memref<128x128xf32, #tpu.memory_space<vmem>>, %arg9: memref<1x128xf32, #tpu.memory_space<vmem>>, %arg10: memref<128x128xf32, #tpu.memory_space<vmem>>, %arg11: memref<128x128xf32, #tpu.memory_space<vmem>>, %arg12: memref<1x128xf32, #tpu.memory_space<vmem>>, %arg13: memref<128x128xf32, #tpu.memory_space<vmem>>, %arg14: memref<1x128xf32, #tpu.memory_space<vmem>>, %arg15: memref<256x128xf32, #tpu.memory_space<vmem>>, %arg16: memref<1x128xf32, #tpu.memory_space<vmem>>, %arg17: memref<1x128xf32, #tpu.memory_space<vmem>>, %arg18: memref<1x128xf32, #tpu.memory_space<vmem>>, %arg19: memref<1x128xf32, #tpu.memory_space<vmem>>, %arg20: memref<10000x128xf32, #tpu.memory_space<vmem>>) attributes {dimension_semantics = [#tpu.dimension_semantics<arbitrary>], iteration_bounds = array<i64: 1>, scalar_prefetch = 0 : i64, scratch_operands = 0 : i64, tpu.core_type = #tpu.core_type<tc>, window_params = [{pipeline_mode = #tpu.pipeline_mode<synchronous>, transform_indices = @transform_0, window_bounds = array<i64: 10000, 128>}, {transform_indices = @transform_1, window_bounds = array<i64: 1, 10000, 128>}, {transform_indices = @transform_2, window_bounds = array<i64: 1, 10000, 128>}, {pipeline_mode = #tpu.pipeline_mode<synchronous>, transform_indices = @transform_3, window_bounds = array<i64: 1, 10000>}, {pipeline_mode = #tpu.pipeline_mode<synchronous>, transform_indices = @transform_4, window_bounds = array<i64: 128, 128>}, {pipeline_mode = #tpu.pipeline_mode<synchronous>, transform_indices = @transform_5, window_bounds = array<i64: 1, 128>}, {pipeline_mode = #tpu.pipeline_mode<synchronous>, transform_indices = @transform_6, window_bounds = array<i64: 128, 128>}, {pipeline_mode = #tpu.pipeline_mode<synchronous>, transform_indices = @transform_7, window_bounds = array<i64: 128, 128>}, {pipeline_mode = #tpu.pipeline_mode<synchronous>, transform_indices = @transform_8, window_bounds = array<i64: 1, 128>}, {pipeline_mode = #tpu.pipeline_mode<synchronous>, transform_indices = @transform_9, window_bounds = array<i64: 128, 128>}, {pipeline_mode = #tpu.pipeline_mode<synchronous>, transform_indices = @transform_10, window_bounds = array<i64: 128, 128>}, {pipeline_mode = #tpu.pipeline_mode<synchronous>, transform_indices = @transform_11, window_bounds = array<i64: 1, 128>}, {pipeline_mode = #tpu.pipeline_mode<synchronous>, transform_indices = @transform_12, window_bounds = array<i64: 128, 128>}, {pipeline_mode = #tpu.pipeline_mode<synchronous>, transform_indices = @transform_13, window_bounds = array<i64: 1, 128>}, {pipeline_mode = #tpu.pipeline_mode<synchronous>, transform_indices = @transform_14, window_bounds = array<i64: 256, 128>}, {pipeline_mode = #tpu.pipeline_mode<synchronous>, transform_indices = @transform_15, window_bounds = array<i64: 1, 128>}, {pipeline_mode = #tpu.pipeline_mode<synchronous>, transform_indices = @transform_16, window_bounds = array<i64: 1, 128>}, {pipeline_mode = #tpu.pipeline_mode<synchronous>, transform_indices = @transform_17, window_bounds = array<i64: 1, 128>}, {pipeline_mode = #tpu.pipeline_mode<synchronous>, transform_indices = @transform_18, window_bounds = array<i64: 1, 128>}, {pipeline_mode = #tpu.pipeline_mode<synchronous>, transform_indices = @transform_19, window_bounds = array<i64: 10000, 128>}]} {
    %get3A = arith.constant 0 : index
    %get3A_0 = arith.constant 0 : index
    %get3A_1 = vector.load %arg1[%get3A, %get3A_0] : memref<10000x128xf32, #tpu.memory_space<vmem>>, vector<10000x128xf32>
    %get3A_2 = arith.constant 0 : index
    %get3A_3 = arith.constant 0 : index
    %get3A_4 = arith.constant 0 : index
    %get3A_5 = vector.load %arg2[%get3A_2, %get3A_3, %get3A_4] : memref<1x10000x128xf32, #tpu.memory_space<vmem>>, vector<1x10000x128xf32>
    %get3A_6 = vector.shape_cast %get3A_5 : vector<1x10000x128xf32> to vector<10000x128xf32>
    %get3A_7 = arith.constant 0 : index
    %get3A_8 = arith.constant 0 : index
    %get3A_9 = vector.load %arg5[%get3A_7, %get3A_8] : memref<128x128xf32, #tpu.memory_space<vmem>>, vector<128x128xf32>
    %dot_general3A = arith.constant dense<0.000000e+00> : vector<10000x128xf32>
    %dot_general3A_10 = tpu.matmul %get3A_6, %get3A_9, %dot_general3A {dimension_numbers = #tpu.dot_dimension_numbers<[1], [0], [0], [1], [0, 0, 1, 1], [], []>, transpose_lhs_hint = false} : vector<10000x128xf32>, vector<128x128xf32>, vector<10000x128xf32> -> vector<10000x128xf32>
    %get3A_11 = arith.constant 0 : index
    %get3A_12 = arith.constant 0 : index
    %get3A_13 = vector.load %arg6[%get3A_11, %get3A_12] : memref<1x128xf32, #tpu.memory_space<vmem>>, vector<1x128xf32>
    %add3A = vector.broadcast %get3A_13 : vector<1x128xf32> to vector<10000x128xf32>
    %add3A_14 = arith.addf %dot_general3A_10, %add3A : vector<10000x128xf32>
    %get3A_15 = arith.constant 0 : index
    %get3A_16 = arith.constant 0 : index
    %get3A_17 = vector.load %arg7[%get3A_15, %get3A_16] : memref<128x128xf32, #tpu.memory_space<vmem>>, vector<128x128xf32>
    %dot_general3A_18 = arith.constant dense<0.000000e+00> : vector<10000x128xf32>
    %dot_general3A_19 = tpu.matmul %get3A_1, %get3A_17, %dot_general3A_18 {dimension_numbers = #tpu.dot_dimension_numbers<[1], [0], [0], [1], [0, 0, 1, 1], [], []>, transpose_lhs_hint = false} : vector<10000x128xf32>, vector<128x128xf32>, vector<10000x128xf32> -> vector<10000x128xf32>
    %add3A_20 = arith.addf %add3A_14, %dot_general3A_19 : vector<10000x128xf32>
    %get3A_21 = arith.constant 0 : index
    %get3A_22 = arith.constant 0 : index
    %get3A_23 = vector.load %arg11[%get3A_21, %get3A_22] : memref<128x128xf32, #tpu.memory_space<vmem>>, vector<128x128xf32>
    %dot_general3A_24 = arith.constant dense<0.000000e+00> : vector<10000x128xf32>
    %dot_general3A_25 = tpu.matmul %add3A_20, %get3A_23, %dot_general3A_24 {dimension_numbers = #tpu.dot_dimension_numbers<[1], [0], [0], [1], [0, 0, 1, 1], [], []>, transpose_lhs_hint = false} : vector<10000x128xf32>, vector<128x128xf32>, vector<10000x128xf32> -> vector<10000x128xf32>
    %get3A_26 = arith.constant 0 : index
    %get3A_27 = arith.constant 0 : index
    %get3A_28 = vector.load %arg12[%get3A_26, %get3A_27] : memref<1x128xf32, #tpu.memory_space<vmem>>, vector<1x128xf32>
    %add3A_29 = vector.broadcast %get3A_28 : vector<1x128xf32> to vector<10000x128xf32>
    %add3A_30 = arith.addf %dot_general3A_25, %add3A_29 : vector<10000x128xf32>
    %gt3A = arith.constant 0.000000e+00 : f32
    %gt3A_31 = vector.broadcast %gt3A : f32 to vector<10000x128xf32>
    %gt3A_32 = arith.cmpf ogt, %add3A_30, %gt3A_31 : vector<10000x128xf32>
    %mul3A = arith.constant 1.000000e-01 : f32
    %mul3A_33 = vector.broadcast %mul3A : f32 to vector<10000x128xf32>
    %mul3A_34 = arith.mulf %mul3A_33, %add3A_30 : vector<10000x128xf32>
    %select_n3A = arith.select %gt3A_32, %add3A_30, %mul3A_34 : vector<10000x128xi1>, vector<10000x128xf32>
    %get3A_35 = arith.constant 0 : index
    %get3A_36 = arith.constant 0 : index
    %get3A_37 = arith.constant 0 : index
    %get3A_38 = vector.load %arg3[%get3A_35, %get3A_36, %get3A_37] : memref<1x10000x128xf32, #tpu.memory_space<vmem>>, vector<1x10000x128xf32>
    %get3A_39 = vector.shape_cast %get3A_38 : vector<1x10000x128xf32> to vector<10000x128xf32>
    %get3A_40 = arith.constant 0 : index
    %get3A_41 = arith.constant 0 : index
    %get3A_42 = vector.load %arg8[%get3A_40, %get3A_41] : memref<128x128xf32, #tpu.memory_space<vmem>>, vector<128x128xf32>
    %dot_general3A_43 = arith.constant dense<0.000000e+00> : vector<10000x128xf32>
    %dot_general3A_44 = tpu.matmul %get3A_39, %get3A_42, %dot_general3A_43 {dimension_numbers = #tpu.dot_dimension_numbers<[1], [0], [0], [1], [0, 0, 1, 1], [], []>, transpose_lhs_hint = false} : vector<10000x128xf32>, vector<128x128xf32>, vector<10000x128xf32> -> vector<10000x128xf32>
    %get3A_45 = arith.constant 0 : index
    %get3A_46 = arith.constant 0 : index
    %get3A_47 = vector.load %arg9[%get3A_45, %get3A_46] : memref<1x128xf32, #tpu.memory_space<vmem>>, vector<1x128xf32>
    %add3A_48 = vector.broadcast %get3A_47 : vector<1x128xf32> to vector<10000x128xf32>
    %add3A_49 = arith.addf %dot_general3A_44, %add3A_48 : vector<10000x128xf32>
    %get3A_50 = arith.constant 0 : index
    %get3A_51 = arith.constant 0 : index
    %get3A_52 = vector.load %arg10[%get3A_50, %get3A_51] : memref<128x128xf32, #tpu.memory_space<vmem>>, vector<128x128xf32>
    %dot_general3A_53 = arith.constant dense<0.000000e+00> : vector<10000x128xf32>
    %dot_general3A_54 = tpu.matmul %get3A_1, %get3A_52, %dot_general3A_53 {dimension_numbers = #tpu.dot_dimension_numbers<[1], [0], [0], [1], [0, 0, 1, 1], [], []>, transpose_lhs_hint = false} : vector<10000x128xf32>, vector<128x128xf32>, vector<10000x128xf32> -> vector<10000x128xf32>
    %add3A_55 = arith.addf %add3A_49, %dot_general3A_54 : vector<10000x128xf32>
    %get3A_56 = arith.constant 0 : index
    %get3A_57 = arith.constant 0 : index
    %get3A_58 = vector.load %arg13[%get3A_56, %get3A_57] : memref<128x128xf32, #tpu.memory_space<vmem>>, vector<128x128xf32>
    %dot_general3A_59 = arith.constant dense<0.000000e+00> : vector<10000x128xf32>
    %dot_general3A_60 = tpu.matmul %add3A_55, %get3A_58, %dot_general3A_59 {dimension_numbers = #tpu.dot_dimension_numbers<[1], [0], [0], [1], [0, 0, 1, 1], [], []>, transpose_lhs_hint = false} : vector<10000x128xf32>, vector<128x128xf32>, vector<10000x128xf32> -> vector<10000x128xf32>
    %get3A_61 = arith.constant 0 : index
    %get3A_62 = arith.constant 0 : index
    %get3A_63 = vector.load %arg14[%get3A_61, %get3A_62] : memref<1x128xf32, #tpu.memory_space<vmem>>, vector<1x128xf32>
    %add3A_64 = vector.broadcast %get3A_63 : vector<1x128xf32> to vector<10000x128xf32>
    %add3A_65 = arith.addf %dot_general3A_60, %add3A_64 : vector<10000x128xf32>
    %gt3A_66 = arith.constant 0.000000e+00 : f32
    %gt3A_67 = vector.broadcast %gt3A_66 : f32 to vector<10000x128xf32>
    %gt3A_68 = arith.cmpf ogt, %add3A_65, %gt3A_67 : vector<10000x128xf32>
    %mul3A_69 = arith.constant 1.000000e-01 : f32
    %mul3A_70 = vector.broadcast %mul3A_69 : f32 to vector<10000x128xf32>
    %mul3A_71 = arith.mulf %mul3A_70, %add3A_65 : vector<10000x128xf32>
    %select_n3A_72 = arith.select %gt3A_68, %add3A_65, %mul3A_71 : vector<10000x128xi1>, vector<10000x128xf32>
    %get3A_73 = arith.constant 0 : index
    %get3A_74 = arith.constant 0 : index
    %get3A_75 = vector.load %arg15[%get3A_73, %get3A_74] : memref<256x128xf32, #tpu.memory_space<vmem>>, vector<256x128xf32>
    %slice3A = vector.extract_strided_slice %get3A_75 {offsets = [0, 0], sizes = [128, 128], strides = [1, 1]} : vector<256x128xf32> to vector<128x128xf32>
    %dot_general3A_76 = arith.constant dense<0.000000e+00> : vector<10000x128xf32>
    %dot_general3A_77 = tpu.matmul %select_n3A, %slice3A, %dot_general3A_76 {dimension_numbers = #tpu.dot_dimension_numbers<[1], [0], [0], [1], [0, 0, 1, 1], [], []>, transpose_lhs_hint = false} : vector<10000x128xf32>, vector<128x128xf32>, vector<10000x128xf32> -> vector<10000x128xf32>
    %slice3A_78 = vector.extract_strided_slice %get3A_75 {offsets = [128, 0], sizes = [128, 128], strides = [1, 1]} : vector<256x128xf32> to vector<128x128xf32>
    %dot_general3A_79 = arith.constant dense<0.000000e+00> : vector<10000x128xf32>
    %dot_general3A_80 = tpu.matmul %select_n3A_72, %slice3A_78, %dot_general3A_79 {dimension_numbers = #tpu.dot_dimension_numbers<[1], [0], [0], [1], [0, 0, 1, 1], [], []>, transpose_lhs_hint = false} : vector<10000x128xf32>, vector<128x128xf32>, vector<10000x128xf32> -> vector<10000x128xf32>
    %add3A_81 = arith.addf %dot_general3A_77, %dot_general3A_80 : vector<10000x128xf32>
    %get3A_82 = arith.constant 0 : index
    %get3A_83 = arith.constant 0 : index
    %get3A_84 = vector.load %arg16[%get3A_82, %get3A_83] : memref<1x128xf32, #tpu.memory_space<vmem>>, vector<1x128xf32>
    %add3A_85 = vector.broadcast %get3A_84 : vector<1x128xf32> to vector<10000x128xf32>
    %add3A_86 = arith.addf %add3A_81, %add3A_85 : vector<10000x128xf32>
    %get3A_87 = arith.constant 0 : index
    %get3A_88 = arith.constant 0 : index
    %get3A_89 = vector.load %arg4[%get3A_87, %get3A_88] : memref<1x10000xi32, #tpu.memory_space<vmem>>, vector<1x10000xi32>
    %iota3A = tpu.iota {dimensions = array<i32: 0>} : vector<64x10000xi32>
    %eq3A = vector.broadcast %get3A_89 : vector<1x10000xi32> to vector<64x10000xi32>
    %eq3A_90 = arith.cmpi eq, %iota3A, %eq3A : vector<64x10000xi32>
    %convert_element_type3A = arith.extui %eq3A_90 : vector<64x10000xi1> to vector<64x10000xi32>
    %convert_element_type3A_91 = arith.sitofp %convert_element_type3A : vector<64x10000xi32> to vector<64x10000xf32>
    %reduce_sum3A = arith.constant dense<0.000000e+00> : vector<64xf32>
    %reduce_sum3A_92 = vector.multi_reduction <add>, %convert_element_type3A_91, %reduce_sum3A [1] : vector<64x10000xf32> to vector<64xf32>
    %broadcast_in_dim3A = vector.shape_cast %reduce_sum3A_92 : vector<64xf32> to vector<64x1xf32>
    %max3A = arith.constant 1.000000e+00 : f32
    %max3A_93 = vector.broadcast %max3A : f32 to vector<64x1xf32>
    %max3A_94 = arith.maximumf %broadcast_in_dim3A, %max3A_93 : vector<64x1xf32>
    %dot_general3A_95 = arith.constant dense<0.000000e+00> : vector<64x128xf32>
    %dot_general3A_96 = tpu.matmul %convert_element_type3A_91, %add3A_86, %dot_general3A_95 {dimension_numbers = #tpu.dot_dimension_numbers<[1], [0], [0], [1], [0, 0, 1, 1], [], []>, transpose_lhs_hint = false} : vector<64x10000xf32>, vector<10000x128xf32>, vector<64x128xf32> -> vector<64x128xf32>
    %div3A = vector.broadcast %max3A_94 : vector<64x1xf32> to vector<64x128xf32>
    %div3A_97 = arith.divf %dot_general3A_96, %div3A : vector<64x128xf32>
    %dot_general3A_98 = arith.constant dense<0.000000e+00> : vector<10000x128xf32>
    %dot_general3A_99 = tpu.matmul %convert_element_type3A_91, %div3A_97, %dot_general3A_98 {dimension_numbers = #tpu.dot_dimension_numbers<[0], [0], [1], [1], [0, 1, 1, 1], [], []>, transpose_lhs_hint = false} : vector<64x10000xf32>, vector<64x128xf32>, vector<10000x128xf32> -> vector<10000x128xf32>
    %get3A_100 = arith.constant 0 : index
    %get3A_101 = arith.constant 0 : index
    %get3A_102 = vector.load %arg19[%get3A_100, %get3A_101] : memref<1x128xf32, #tpu.memory_space<vmem>>, vector<1x128xf32>
    %mul3A_103 = vector.broadcast %get3A_102 : vector<1x128xf32> to vector<10000x128xf32>
    %mul3A_104 = arith.mulf %dot_general3A_99, %mul3A_103 : vector<10000x128xf32>
    %sub3A = arith.subf %add3A_86, %mul3A_104 : vector<10000x128xf32>
    %mul3A_105 = arith.mulf %sub3A, %sub3A : vector<10000x128xf32>
    %dot_general3A_106 = arith.constant dense<0.000000e+00> : vector<64x128xf32>
    %dot_general3A_107 = tpu.matmul %convert_element_type3A_91, %mul3A_105, %dot_general3A_106 {dimension_numbers = #tpu.dot_dimension_numbers<[1], [0], [0], [1], [0, 0, 1, 1], [], []>, transpose_lhs_hint = false} : vector<64x10000xf32>, vector<10000x128xf32>, vector<64x128xf32> -> vector<64x128xf32>
    %div3A_108 = vector.broadcast %max3A_94 : vector<64x1xf32> to vector<64x128xf32>
    %div3A_109 = arith.divf %dot_general3A_107, %div3A_108 : vector<64x128xf32>
    %dot_general3A_110 = arith.constant dense<0.000000e+00> : vector<10000x128xf32>
    %dot_general3A_111 = tpu.matmul %convert_element_type3A_91, %div3A_109, %dot_general3A_110 {dimension_numbers = #tpu.dot_dimension_numbers<[0], [0], [1], [1], [0, 1, 1, 1], [], []>, transpose_lhs_hint = false} : vector<64x10000xf32>, vector<64x128xf32>, vector<10000x128xf32> -> vector<10000x128xf32>
    %get3A_112 = arith.constant 0 : index
    %get3A_113 = arith.constant 0 : index
    %get3A_114 = vector.load %arg17[%get3A_112, %get3A_113] : memref<1x128xf32, #tpu.memory_space<vmem>>, vector<1x128xf32>
    %mul3A_115 = vector.broadcast %get3A_114 : vector<1x128xf32> to vector<10000x128xf32>
    %mul3A_116 = arith.mulf %mul3A_115, %sub3A : vector<10000x128xf32>
    %add3A_117 = arith.constant 9.99999974E-6 : f32
    %add3A_118 = vector.broadcast %add3A_117 : f32 to vector<10000x128xf32>
    %add3A_119 = arith.addf %dot_general3A_111, %add3A_118 : vector<10000x128xf32>
    %rsqrt3A = math.rsqrt %add3A_119 : vector<10000x128xf32>
    %mul3A_120 = arith.mulf %mul3A_116, %rsqrt3A : vector<10000x128xf32>
    %get3A_121 = arith.constant 0 : index
    %get3A_122 = arith.constant 0 : index
    %get3A_123 = vector.load %arg18[%get3A_121, %get3A_122] : memref<1x128xf32, #tpu.memory_space<vmem>>, vector<1x128xf32>
    %add3A_124 = vector.broadcast %get3A_123 : vector<1x128xf32> to vector<10000x128xf32>
    %add3A_125 = arith.addf %mul3A_120, %add3A_124 : vector<10000x128xf32>
    %swap3A = arith.constant 0 : index
    %swap3A_126 = arith.constant 0 : index
    %swap3A_127 = vector.load %arg20[%swap3A, %swap3A_126] : memref<10000x128xf32, #tpu.memory_space<vmem>>, vector<10000x128xf32>
    tpu.vector_store %arg20[%swap3A, %swap3A_126], %add3A_125 {strides = array<i32>} : memref<10000x128xf32, #tpu.memory_space<vmem>>, vector<10000x128xf32>,
    return
  }
  func.func @transform_0(%arg0: i32) -> (i32, i32) {
    %c0_i32 = arith.constant 0 : i32
    %c0_i32_0 = arith.constant 0 : i32
    %c0_i32_1 = arith.constant 0 : i32
    return %c0_i32, %c0_i32_0 : i32, i32
  }
  func.func @transform_1(%arg0: i32) -> (i32, i32, i32) {
    %c0_i32 = arith.constant 0 : i32
    %c0_i32_0 = arith.constant 0 : i32
    %c0_i32_1 = arith.constant 0 : i32
    %c0_i32_2 = arith.constant 0 : i32
    return %c0_i32, %c0_i32_0, %c0_i32_1 : i32, i32, i32
  }
  func.func @transform_2(%arg0: i32) -> (i32, i32, i32) {
    %c1_i32 = arith.constant 1 : i32
    %c0_i32 = arith.constant 0 : i32
    %c0_i32_0 = arith.constant 0 : i32
    %c0_i32_1 = arith.constant 0 : i32
    return %c1_i32, %c0_i32, %c0_i32_0 : i32, i32, i32
  }
  func.func @transform_3(%arg0: i32) -> (i32, i32) {
    %c0_i32 = arith.constant 0 : i32
    %c0_i32_0 = arith.constant 0 : i32
    %c0_i32_1 = arith.constant 0 : i32
    return %c0_i32, %c0_i32_0 : i32, i32
  }
  func.func @transform_4(%arg0: i32) -> (i32, i32) {
    %c0_i32 = arith.constant 0 : i32
    %c0_i32_0 = arith.constant 0 : i32
    %c0_i32_1 = arith.constant 0 : i32
    return %c0_i32, %c0_i32_0 : i32, i32
  }
  func.func @transform_5(%arg0: i32) -> (i32, i32) {
    %c0_i32 = arith.constant 0 : i32
    %c0_i32_0 = arith.constant 0 : i32
    %c0_i32_1 = arith.constant 0 : i32
    return %c0_i32, %c0_i32_0 : i32, i32
  }
  func.func @transform_6(%arg0: i32) -> (i32, i32) {
    %c0_i32 = arith.constant 0 : i32
    %c0_i32_0 = arith.constant 0 : i32
    %c0_i32_1 = arith.constant 0 : i32
    return %c0_i32, %c0_i32_0 : i32, i32
  }
  func.func @transform_7(%arg0: i32) -> (i32, i32) {
    %c0_i32 = arith.constant 0 : i32
    %c0_i32_0 = arith.constant 0 : i32
    %c0_i32_1 = arith.constant 0 : i32
    return %c0_i32, %c0_i32_0 : i32, i32
  }
  func.func @transform_8(%arg0: i32) -> (i32, i32) {
    %c0_i32 = arith.constant 0 : i32
    %c0_i32_0 = arith.constant 0 : i32
    %c0_i32_1 = arith.constant 0 : i32
    return %c0_i32, %c0_i32_0 : i32, i32
  }
  func.func @transform_9(%arg0: i32) -> (i32, i32) {
    %c0_i32 = arith.constant 0 : i32
    %c0_i32_0 = arith.constant 0 : i32
    %c0_i32_1 = arith.constant 0 : i32
    return %c0_i32, %c0_i32_0 : i32, i32
  }
  func.func @transform_10(%arg0: i32) -> (i32, i32) {
    %c0_i32 = arith.constant 0 : i32
    %c0_i32_0 = arith.constant 0 : i32
    %c0_i32_1 = arith.constant 0 : i32
    return %c0_i32, %c0_i32_0 : i32, i32
  }
  func.func @transform_11(%arg0: i32) -> (i32, i32) {
    %c0_i32 = arith.constant 0 : i32
    %c0_i32_0 = arith.constant 0 : i32
    %c0_i32_1 = arith.constant 0 : i32
    return %c0_i32, %c0_i32_0 : i32, i32
  }
  func.func @transform_12(%arg0: i32) -> (i32, i32) {
    %c0_i32 = arith.constant 0 : i32
    %c0_i32_0 = arith.constant 0 : i32
    %c0_i32_1 = arith.constant 0 : i32
    return %c0_i32, %c0_i32_0 : i32, i32
  }
  func.func @transform_13(%arg0: i32) -> (i32, i32) {
    %c0_i32 = arith.constant 0 : i32
    %c0_i32_0 = arith.constant 0 : i32
    %c0_i32_1 = arith.constant 0 : i32
    return %c0_i32, %c0_i32_0 : i32, i32
  }
  func.func @transform_14(%arg0: i32) -> (i32, i32) {
    %c0_i32 = arith.constant 0 : i32
    %c0_i32_0 = arith.constant 0 : i32
    %c0_i32_1 = arith.constant 0 : i32
    return %c0_i32, %c0_i32_0 : i32, i32
  }
  func.func @transform_15(%arg0: i32) -> (i32, i32) {
    %c0_i32 = arith.constant 0 : i32
    %c0_i32_0 = arith.constant 0 : i32
    %c0_i32_1 = arith.constant 0 : i32
    return %c0_i32, %c0_i32_0 : i32, i32
  }
  func.func @transform_16(%arg0: i32) -> (i32, i32) {
    %c0_i32 = arith.constant 0 : i32
    %c0_i32_0 = arith.constant 0 : i32
    %c0_i32_1 = arith.constant 0 : i32
    return %c0_i32, %c0_i32_0 : i32, i32
  }
  func.func @transform_17(%arg0: i32) -> (i32, i32) {
    %c0_i32 = arith.constant 0 : i32
    %c0_i32_0 = arith.constant 0 : i32
    %c0_i32_1 = arith.constant 0 : i32
    return %c0_i32, %c0_i32_0 : i32, i32
  }
  func.func @transform_18(%arg0: i32) -> (i32, i32) {
    %c0_i32 = arith.constant 0 : i32
    %c0_i32_0 = arith.constant 0 : i32
    %c0_i32_1 = arith.constant 0 : i32
    return %c0_i32, %c0_i32_0 : i32, i32
  }
  func.func @transform_19(%arg0: i32) -> (i32, i32) {
    %c0_i32 = arith.constant 0 : i32
    %c0_i32_0 = arith.constant 0 : i32
    %c0_i32_1 = arith.constant 0 : i32
    return %c0_i32, %c0_i32_0 : i32, i32
  }
}

module attributes {stable_mosaic.version = 14 : i64} {
  func.func @_edge_body(%arg0: i32, %arg1: memref<2000x54xf32, #tpu.memory_space<vmem>>, %arg2: memref<2000x128xf32, #tpu.memory_space<vmem>>, %arg3: memref<54x256xf32, #tpu.memory_space<vmem>>, %arg4: memref<256x128xf32, #tpu.memory_space<vmem>>, %arg5: memref<2x2000x128xf32, #tpu.memory_space<vmem>>) attributes {dimension_semantics = [#tpu.dimension_semantics<arbitrary>], iteration_bounds = array<i64: 160>, scalar_prefetch = 0 : i64, scratch_operands = 0 : i64, tpu.core_type = #tpu.core_type<tc>, window_params = [{transform_indices = @transform_0, window_bounds = array<i64: 2000, 54>}, {transform_indices = @transform_1, window_bounds = array<i64: 2000, 128>}, {pipeline_mode = #tpu.pipeline_mode<synchronous>, transform_indices = @transform_2, window_bounds = array<i64: 54, 256>}, {pipeline_mode = #tpu.pipeline_mode<synchronous>, transform_indices = @transform_3, window_bounds = array<i64: 256, 128>}, {transform_indices = @transform_4, window_bounds = array<i64: 2, 2000, 128>}]} {
    %get3A = arith.constant 0 : index
    %get3A_0 = arith.constant 0 : index
    %get3A_1 = vector.load %arg1[%get3A, %get3A_0] : memref<2000x54xf32, #tpu.memory_space<vmem>>, vector<2000x54xf32>
    %get3A_2 = arith.constant 0 : index
    %get3A_3 = arith.constant 0 : index
    %get3A_4 = vector.load %arg3[%get3A_2, %get3A_3] : memref<54x256xf32, #tpu.memory_space<vmem>>, vector<54x256xf32>
    %dot_general3A = arith.constant dense<0.000000e+00> : vector<2000x256xf32>
    %dot_general3A_5 = tpu.matmul %get3A_1, %get3A_4, %dot_general3A {dimension_numbers = #tpu.dot_dimension_numbers<[1], [0], [0], [1], [0, 0, 1, 1], [], []>, transpose_lhs_hint = false} : vector<2000x54xf32>, vector<54x256xf32>, vector<2000x256xf32> -> vector<2000x256xf32>
    %get3A_6 = arith.constant 0 : index
    %get3A_7 = arith.constant 0 : index
    %get3A_8 = vector.load %arg4[%get3A_6, %get3A_7] : memref<256x128xf32, #tpu.memory_space<vmem>>, vector<256x128xf32>
    %dot_general3A_9 = arith.constant dense<0.000000e+00> : vector<2000x128xf32>
    %dot_general3A_10 = tpu.matmul %dot_general3A_5, %get3A_8, %dot_general3A_9 {dimension_numbers = #tpu.dot_dimension_numbers<[1], [0], [0], [1], [0, 0, 1, 1], [], []>, transpose_lhs_hint = false} : vector<2000x256xf32>, vector<256x128xf32>, vector<2000x128xf32> -> vector<2000x128xf32>
    %get3A_11 = arith.constant 0 : index
    %get3A_12 = arith.constant 0 : index
    %get3A_13 = vector.load %arg2[%get3A_11, %get3A_12] : memref<2000x128xf32, #tpu.memory_space<vmem>>, vector<2000x128xf32>
    %mul3A = arith.mulf %dot_general3A_10, %get3A_13 : vector<2000x128xf32>
    %swap3A = arith.constant 0 : index
    %swap3A_14 = arith.constant 0 : index
    %swap3A_15 = arith.constant 0 : index
    %swap3A_16 = vector.load %arg5[%swap3A, %swap3A_14, %swap3A_15] : memref<2x2000x128xf32, #tpu.memory_space<vmem>>, vector<1x2000x128xf32>
    %swap3A_17 = vector.shape_cast %swap3A_16 : vector<1x2000x128xf32> to vector<2000x128xf32>
    %swap3A_18 = vector.shape_cast %mul3A : vector<2000x128xf32> to vector<1x2000x128xf32>
    tpu.vector_store %arg5[%swap3A, %swap3A_14, %swap3A_15], %swap3A_18 {strides = array<i32>} : memref<2x2000x128xf32, #tpu.memory_space<vmem>>, vector<1x2000x128xf32>,
    %mul3A_19 = arith.mulf %mul3A, %get3A_13 : vector<2000x128xf32>
    %swap3A_20 = arith.constant 1 : index
    %swap3A_21 = arith.constant 0 : index
    %swap3A_22 = arith.constant 0 : index
    %swap3A_23 = vector.load %arg5[%swap3A_20, %swap3A_21, %swap3A_22] : memref<2x2000x128xf32, #tpu.memory_space<vmem>>, vector<1x2000x128xf32>
    %swap3A_24 = vector.shape_cast %swap3A_23 : vector<1x2000x128xf32> to vector<2000x128xf32>
    %swap3A_25 = vector.shape_cast %mul3A_19 : vector<2000x128xf32> to vector<1x2000x128xf32>
    tpu.vector_store %arg5[%swap3A_20, %swap3A_21, %swap3A_22], %swap3A_25 {strides = array<i32>} : memref<2x2000x128xf32, #tpu.memory_space<vmem>>, vector<1x2000x128xf32>,
    return
  }
  func.func @transform_0(%arg0: i32) -> (i32, i32) {
    %c0_i32 = arith.constant 0 : i32
    %c0_i32_0 = arith.constant 0 : i32
    return %arg0, %c0_i32 : i32, i32
  }
  func.func @transform_1(%arg0: i32) -> (i32, i32) {
    %c0_i32 = arith.constant 0 : i32
    %c0_i32_0 = arith.constant 0 : i32
    return %arg0, %c0_i32 : i32, i32
  }
  func.func @transform_2(%arg0: i32) -> (i32, i32) {
    %c0_i32 = arith.constant 0 : i32
    %c0_i32_0 = arith.constant 0 : i32
    %c0_i32_1 = arith.constant 0 : i32
    return %c0_i32, %c0_i32_0 : i32, i32
  }
  func.func @transform_3(%arg0: i32) -> (i32, i32) {
    %c0_i32 = arith.constant 0 : i32
    %c0_i32_0 = arith.constant 0 : i32
    %c0_i32_1 = arith.constant 0 : i32
    return %c0_i32, %c0_i32_0 : i32, i32
  }
  func.func @transform_4(%arg0: i32) -> (i32, i32, i32) {
    %c0_i32 = arith.constant 0 : i32
    %c0_i32_0 = arith.constant 0 : i32
    %c0_i32_1 = arith.constant 0 : i32
    return %c0_i32, %arg0, %c0_i32_0 : i32, i32, i32
  }
}

</mosaic_0001>

<sc_bundles>
// kernel: kernel.5.cloned.1.call-start
scs
__scs_entry_jumppad:
0x0: {  	(pc) =	sbr.rel $0x88, $3  }
0x1: {  	(tag) =	ssettag $0x0;
	lr =	simm.s32 $0x1  }
0x2: {  	[smem:$0x3F8B] =	sst lr;
	_ =	strace $0xD0000000  }
0x3: {  	_ = 	snop  }
0x4: {  	_ = 	snop  }
0x5: {  	_ = 	snop  }
0x6: {  	_ = 	snop  }
0x7: {  	_ = 	snop  }
__scs_overlays_trampoline_lowered:
0x8: {  	[smem:$0x3F9A] =	sst s0  }
0x9: {  	[smem:$0x3F9B] =	sst s1  }
0xa: {  	[smem:$0x3F9C] =	sst s2  }
0xb: {  	[smem:$0x3F9D] =	sst s3  }
0xc: {  	[smem:$0x3F9E] =	sst s4  }
0xd: {  	[smem:$0x3F9F] =	sst s5  }
0xe: {  	[smem:$0x3FA0] =	sst s6  }
0xf: {  	[smem:$0x3FA1] =	sst s7  }
0x10: {  	[smem:$0x3FA2] =	sst s8  }
0x11: {  	[smem:$0x3FA3] =	sst s9;
	s0 =	simm.s32 @!p0 $0x0  }
0x12: {  	s1 =	sld [smem:$0x3F89];
	s0 =	simm.s32 @p0 $0x1  }
0x13: {  	[smem:$0x3FA4] =	sst s0;
	s0 =	simm.s32 @!p1 $0x0  }
0x14: {  	s2 =	sld [smem:$0x3F88];
	s0 =	simm.s32 @p1 $0x1  }
0x15: {  	[smem:$0x3FA5] =	sst s0;
	s0 =	simm.s32 @!p2 $0x0  }
0x16: {  	s3 =	sld [smem:$0x3FDB];
	s0 =	simm.s32 @p2 $0x1  }
0x17: {  	s4 =	simm.s32 $0x1BF5;
	[smem:$0x3FA7] =	sst s0  }
0x18: {  	s0 =	sld [smem:$0x3F8A];
	_ =	swait.ge [sflag:s4], $0x0  }
0x19: {  	s7 =	sld [smem:$0x3F8B]  }
0x1a: {  	s8 =	sadd.s32 $0xFFFFE003, lr  }
0x1b: {  	s9 =	sadd.s32 $0xFFFFFEF7, lr;
	s5 =	simm.s32 $0xFFFFFFFF;
	p2 =	slt.u32 s8, $0xFFFFF086  }
0x1c: {  	p1 =	slt.u32 s9, $0xF7A;
	s5 =	simm.s32 @!p2 $0x0  }
0x1d: {  	s5 =	simm.s32 @p1 $0x1;
	p0 =	seq.s32 s7, s2  }
0x1e: {  	s7 =	smul.u32 @!p0 $0xF7A, s2;
	p2 =	seq.s32 @!p0 s5, $0x0  }
0x1f: {  	s9 =	smul.u32 $0xF7A, s1;
	s8 =	simm.s32 @!p0 $0x1BF5;
	p2 =	por !p2, p0  }
0x20: {  	[sflag:s8] =	ssyncset.s32 @!p0 $0xFFFFF086;
	s6 =	sadd.s32 @!p0 s3, s7;
	s7 =	simm.s32 @!p0 $0x108  }
0x21: {  	s3 =	sadd.s32 s3, s9;
	s6 =	sadd.s32 @!p0 $0x88, s6;
	s7 =	simm.s32 @p2 $0x1082  }
0x22: {  	[simem:s7], [sflag:s8] =	dma.local @!p0 [hbm:s6], $0xF7A  }
0x23: {  	s9 =	sor.u32 $0xD0000000, s2;
	s6 =	simm.s32 $0x108;
	_ =	swait.ge @!p0 [sflag:s8], $0x0  }
0x24: {  	s3 =	sadd.s32 $0x88, s3;
	s6 =	simm.s32 @!p1 $0x1082;
	[sflag:s4] =	ssyncset.s32 $0xFFFFF086  }
0x25: {  	[simem:s6], [sflag:s4] =	dma.local [hbm:s3], $0xF7A  }
0x26: {  	[smem:$0x3F8B] =	sst s1;
	(tag) =	ssettag s2;
	_ =	strace s9  }
0x27: {  	s1 =	sld [smem:$0x3F9B]  }
0x28: {  	s2 =	sld [smem:$0x3F9C]  }
0x29: {  	s4 =	sld [smem:$0x3F9E]  }
0x2a: {  	p0 =	seq.s32 s5, $0x0;
	s5 =	sld [smem:$0x3F9F]  }
0x2b: {  	s6 =	sld [smem:$0x3FA0]  }
0x2c: {  	s7 =	sld [smem:$0x3FA1]  }
0x2d: {  	s3 =	simm.s32 $0x108;
	s8 =	sld [smem:$0x3FA2]  }
0x2e: {  	s3 =	simm.s32 @!p0 $0x1082;
	s9 =	sld [smem:$0x3FA3]  }
0x2f: {  	lr =	sadd.s32 s0, s3;
	s0 =	sld [smem:$0x3F9A]  }
0x30: {  	s3 =	sld [smem:$0x3F9D]  }
0x31: {  	[smem:$0x3FA6] =	sst s10  }
0x32: {  	s10 =	sld [smem:$0x3FA4];
	_ =	sdelay $0x3  }
0x33: {  	p0 =	seq.s32 s10, $0x1;
	s10 =	sld [smem:$0x3FA6];
	_ =	sdelay $0x3  }
0x34: {  	[smem:$0x3FA6] =	sst s10  }
0x35: {  	s10 =	sld [smem:$0x3FA5];
	_ =	sdelay $0x3  }
0x36: {  	p1 =	seq.s32 s10, $0x1;
	s10 =	sld [smem:$0x3FA6];
	_ =	sdelay $0x3  }
0x37: {  	[smem:$0x3FA6] =	sst s10  }
0x38: {  	s10 =	sld [smem:$0x3FA7]  }
0x39: {  	_ = 	snop;
	(pc) =	sbr.ind lr, $3  }
0x3a: {  	_ = 	snop  }
0x3b: {  	_ = 	snop  }
0x3c: {  	p2 =	seq.s32 s10, $0x1;
	s10 =	sld [smem:$0x3FA6]  }
0x3d: {  	_ =	shalt  }
0x3e: {  	_ =	shalt  }
0x3f: {  	_ =	shalt  }
0x40: {  	_ =	shalt  }
0x41: {  	_ =	shalt  }
0x42: {  	_ =	shalt  }
0x43: {  	_ =	shalt  }
0x44: {  	_ =	shalt  }
0x45: {  	_ =	shalt  }
0x46: {  	_ =	shalt  }
0x47: {  	_ =	shalt  }
0x48: {  	_ =	shalt  }
0x49: {  	_ =	shalt  }
0x4a: {  	_ =	shalt  }
0x4b: {  	_ =	shalt  }
0x4c: {  	_ =	shalt  }
0x4d: {  	_ =	shalt  }
0x4e: {  	_ =	shalt  }
0x4f: {  	_ =	shalt  }
0x50: {  	_ =	shalt  }
0x51: {  	_ =	shalt  }
0x52: {  	_ =	shalt  }
0x53: {  	_ =	shalt  }
0x54: {  	_ =	shalt  }
0x55: {  	_ =	shalt  }
0x56: {  	_ =	shalt  }
0x57: {  	_ =	shalt  }
0x58: {  	_ =	shalt  }
0x59: {  	_ =	shalt  }
0x5a: {  	_ =	shalt  }
0x5b: {  	_ =	shalt  }
0x5c: {  	_ =	shalt  }
0x5d: {  	_ =	shalt  }
0x5e: {  	_ =	shalt  }
0x5f: {  	_ =	shalt  }
0x60: {  	_ =	shalt  }
0x61: {  	_ =	shalt  }
0x62: {  	_ =	shalt  }
0x63: {  	_ =	shalt  }
0x64: {  	_ =	shalt  }
0x65: {  	_ =	shalt  }
0x66: {  	_ =	shalt  }
0x67: {  	_ =	shalt  }
0x68: {  	_ =	shalt  }
0x69: {  	_ =	shalt  }
0x6a: {  	_ =	shalt  }
0x6b: {  	_ =	shalt  }
0x6c: {  	_ =	shalt  }
0x6d: {  	_ =	shalt  }
0x6e: {  	_ =	shalt  }
0x6f: {  	_ =	shalt  }
0x70: {  	_ =	shalt  }
0x71: {  	_ =	shalt  }
0x72: {  	_ =	shalt  }
0x73: {  	_ =	shalt  }
0x74: {  	_ =	shalt  }
0x75: {  	_ =	shalt  }
0x76: {  	_ =	shalt  }
0x77: {  	_ =	shalt  }
0x78: {  	_ =	shalt  }
0x79: {  	_ =	shalt  }
0x7a: {  	_ =	shalt  }
0x7b: {  	_ =	shalt  }
0x7c: {  	_ =	shalt  }
0x7d: {  	_ =	shalt  }
0x7e: {  	_ =	shalt  }
0x7f: {  	_ =	shalt  }
0x80: {  	_ =	shalt  }
0x81: {  	_ =	shalt  }
0x82: {  	_ =	shalt  }
0x83: {  	_ =	shalt  }
0x84: {  	_ =	shalt  }
0x85: {  	_ =	shalt  }
0x86: {  	_ =	shalt  }
0x87: {  	_ =	shalt  }
.Lfunc_end0:
.L_simem_size_0:
called_computation_lowered:
.L_overlay_start_0:
0x88: {  	s2 =	sld [smem:$0x3FD9]  }
0x89: {  	s3 =	sld [smem:$0x3FFE];
	_ =	sdelay $0x1  }
0x8a: {  	s1 =	srdreg.scid  }
0x8b: {  	s0 =	sand.u32 $0x1, s1  }
0x8c: {  	s17 =	sshll.u32 s0, $0xA;
	s2 =	sadd.s32 s3, s2  }
0x8d: {  	s2 =	sadd.s32 s2, s17  }
0x8e: {  	[smem:$0x3FB2] =	sst s2  }
0x8f: {  	_ = 	snop  }
0x90: {  	s2 =	sld [smem:$0x3FC9]  }
0x91: {  	s18 =	sld [smem:$0x3FD0];
	(tm) =	ssettm $0x1  }
0x92: {  	s4 =	sld [smem:$0x3FFB];
	_ =	sdelay $0x3  }
0x93: {  	_ =	strace s4  }
0x94: {  	s4 =	sld [smem:$0x3FFC];
	_ =	sdelay $0x3  }
0x95: {  	_ =	strace s4  }
0x96: {  	s4 =	sld [smem:$0x3FFD];
	_ =	sdelay $0x3  }
0x97: {  	_ =	strace s4  }
0x98: {  	_ =	strace $0x8FFFFFFF  }
0x99: {  	s19 =	sld [smem:$0x3FDB];
	_ =	sdelay $0x1  }
0x9a: {  	s5 =	simm.s32 $_scs_section_size  }
0x9b: {  	s6 =	simm.s32 $_size__tile_overlayer_lowered;
	s7 =	simm.s32 $_tile_overlayer_lowered  }
0x9c: {  	s22 =	simm.s32 $0x1BFF;
	s21 =	sshll.u32 s7, $0x1;
	s4 =	sadd.s32 s5, s19  }
0x9d: {  	s8 =	simm.s32 $0x0;
	s20 =	sshll.u32 s6, $0x1;
	s6 =	sadd.s32 s21, s4  }
0x9e: {  	[timem:s8], [sflag:s22] =	dma.local [hbm:s6], s20  }
0x9f: {  	_ =	swait.ge [sflag:s22], s20  }
0xa0: {  	s5 =	ssub.s32 $0x0, s20;
	[sflag:s22] =	ssyncset.done $0x0  }
0xa1: {  	[sflag:s22] =	ssyncadd.s32 s5;
	_ =	sdelay $0x1  }
0xa2: {  	s23 =	simm.s32 $0x1B8B  }
0xa3: {  	_ =	swait.ge [sflag:s23], $0x1  }
0xa4: {  	[sflag:s23] =	ssyncset.done $0x0  }
0xa5: {  	s25 =	simm.s32 $0x1B8E;
	s24 =	sld [smem:$0x3FFE];
	[sflag:s23] =	ssyncadd.s32 $0xFFFFFFFF  }
0xa6: {  	s26 =	simm.s32 $execute0_lowered;
	[smem:$0x3FD2] =	sst s25  }
0xa7: {  	s6 =	sshll.u32 s26, $0x1;
	_ =	strace $0x80000046;
	[dreg:$0x1] =	wrdreg $0xFFFFFFFF  }
0xa8: {  	s28 =	simm.s32 $_size_execute0_lowered;
	s4 =	sadd.s32 s4, s6;
	[dreg:$0x0] =	wrdreg $0x0  }
0xa9: {  	s6 =	sshll.u32 s28, $0x1;
	[dreg:$0x2] =	wrdreg s4  }
0xaa: {  	[dreg:$0x3] =	wrdreg s6  }
0xab: {  	[dreg:$0x4] =	wrdreg $0xC0  }
0xac: {  	_ =	task [dreg:s8], $0x5FFFF  }
0xad: {  	[dreg:$0x1] =	wrdreg $0xFFFFFFFF  }
0xae: {  	[dreg:$0x0] =	wrdreg $0x60  }
0xaf: {  	[dreg:$0x2] =	wrdreg s24  }
0xb0: {  	[dreg:$0x3] =	wrdreg s18  }
0xb1: {  	[dreg:$0x4] =	wrdreg s2  }
0xb2: {  	[dreg:$0x5] =	wrdreg $0x81000  }
0xb3: {  	[dreg:$0x6] =	wrdreg $0x9  }
0xb4: {  	_ =	task.clear_ibuf [dreg:s8], $0x7FFFF;
	_ =	strace $0x90000046  }
0xb5: {  	s29 =	simm.s32 $0x9;
	_ =	strace $0x80000048  }
0xb6: {  	_ =	swait.ge [sflag:s29], $0x1  }
0xb7: {  	[sflag:s29] =	ssyncadd.s32 $0xFFFFFFFF  }
0xb8: {  	_ =	strace $0x90000048  }
0xb9: {  	_ =	sfence  }
0xba: {  	s30 =	sld [smem:$0x0];
	_ =	sdelay $0x2  }
0xbb: {  	s31 =	sshll.u32 s1, $0xD;
	s1 =	sshrl.u32 s1, $0x2  }
0xbc: {  	s3 =	sand.u32 $0x4000, s31;
	s1 =	sadd.s32 s1, s30  }
0xbd: {  	s0 =	sor.u32 s3, s0;
	s1 =	sshll.u32 s1, $0x11  }
0xbe: {  	s0 =	sor.u32 s1, s0  }
0xbf: {  	s0 =	sadd.s32 $0x8F2B, s0  }
0xc0: {  	[sflag:s0] =	ssyncadd.remote.s32 $0x1  }
0xc1: {  	_ =	sfence.sel $0xFFFF  }
0xc2: {  	[dreg:$0x0] =	wrdreg $0xFFFFFFFF;
	(pc) =	sbr.abs _section_cstart, $3  }
0xc3: {  	[dreg:$0x1] =	wrdreg $0xFFFFFFFF  }
0xc4: {  	_ =	task.clear_ibuf [dreg:s8], $0x2FFFF;
	_ =	strace $0x9FFFFFFF  }
0xc5: {  	(tm) =	ssettm $0x7FFFFFFF  }
tec
execute0_lowered:
.L_overlay_start_1:
0x0: {  	(tag) =	ssettag $0x1  }
0x1: {  	s0 =	rddreg [dreg:$0x0]  }
0x2: {  	s1 =	rddreg [dreg:$0x1];
	s4 =	srdreg.scid  }
0x3: {  	s2 =	rddreg [dreg:$0x2];
	s7 =	sand.u32 $0x1, s4  }
0x4: {  	s3 =	rddreg [dreg:$0x3];
	s6 =	smul.u32 $0x2710000, s7  }
0x5: {  	s4 =	stileid.u32;
	s8 =	smul.u32 $0x138800, s7  }
0x6: {  	s5 =	simm.s32 $0x0;
	s9 =	sor.u32 $0x10, s4;
	s10 =	smul.u32 $0x2800, s4  }
0x7: {  	s28 =	simm.s32 $0x2;
	s16 =	sor.u32 $0x20, s4;
	s11 =	smul.u32 $0x2800, s9  }
0x8: {  	s29 =	simm.s32 $0x3;
	s18 =	sor.u32 $0x30, s4;
	s12 =	smul.u32 $0x2800, s16  }
0x9: {  	s30 =	simm.s32 $0x80;
	s19 =	sor.u32 $0x40, s4;
	s15 =	smul.u32 $0x2800, s18  }
0xa: {  	s31 =	simm.s32 $0x4100;
	s20 =	sor.u32 $0x50, s4;
	s26 =	smul.u32 $0x2800, s19  }
0xb: {  	[smem:$0x7FF] =	sst s5;
	s21 =	sor.u32 $0x60, s4;
	s17 =	smul.u32 $0x2800, s20  }
0xc: {  	s14 =	sadd.s32 $0xC200, s0;
	s22 =	sor.u32 $0x70, s4;
	s23 =	smul.u32 $0x2800, s21  }
0xd: {  	_ =	strace $0x80000047;
	s7 =	ssub.s32 $0x2, s7;
	s24 =	smul.u32 $0x2800, s22  }
0xe: {  	s13 =	sshrl.u32 s7, $0x1;
	s9 =	smul.u32 $0xA000, s9;
	p0 =	sgt.u32 s22, $0x7C  }
0xf: {  	s7 =	ssub.s32 s7, s13;
	s10 =	sadd.s32 s8, s10;
	s11 =	sadd.s32 s8, s11  }
0x10: {  	s12 =	sadd.s32 s8, s12;
	s15 =	sadd.s32 s8, s15;
	s13 =	sadd.s32 s8, s26  }
0x11: {  	s17 =	sadd.s32 s8, s17;
	s23 =	sadd.s32 s8, s23;
	s8 =	sadd.s32 s8, s24  }
0x12: {  	s24 =	smul.u32 $0xA000, s4;
	s10 =	sshrl.u32 s10, $0x3;
	s9 =	sshrl.u32 s9, $0x2  }
0x13: {  	s10 =	sadd.s32 s14, s10;
	s11 =	sshrl.u32 s11, $0x3;
	s25 =	sshrl.u32 s12, $0x3  }
0x14: {  	s26 =	sshrl.u32 s15, $0x3;
	s15 =	sshrl.u32 s13, $0x3;
	s8 =	sshrl.u32 s8, $0x3  }
0x15: {  	[dreg:$0x5] =	wrdreg s10;
	s10 =	sadd.s32 s14, s11;
	s12 =	sadd.s32 s14, s26  }
0x16: {  	s26 =	sshrl.u32 s17, $0x3;
	s11 =	smul.u32 $0xA000, s16;
	s16 =	sadd.s32 $0x4EE200, s0  }
0x17: {  	s17 =	smax.u32 s7, $0x1;
	[dreg:$0x6] =	wrdreg s10;
	s10 =	sadd.s32 s14, s25  }
0x18: {  	[dreg:$0x8] =	wrdreg s12;
	s25 =	sadd.s32 s14, s15;
	s12 =	sadd.s32 s14, s26  }
0x19: {  	s15 =	sadd.s32 $0x2400, s0;
	s26 =	smul.u32 $0xA000, s19;
	[dreg:$0x7] =	wrdreg s10  }
0x1a: {  	s19 =	sadd.s32 s9, s3;
	s9 =	smul.u32 $0xA000, s20;
	[dreg:$0x9] =	wrdreg s25  }
0x1b: {  	s10 =	sshrl.u32 s23, $0x3;
	s23 =	smul.u32 $0xA000, s18;
	s25 =	sshrl.u32 s24, $0x2  }
0x1c: {  	s13 =	sadd.s32 s14, s10;
	s14 =	sadd.s32 s14, s8;
	s10 =	smul.u32 $0xA000, s21  }
0x1d: {  	s18 =	sadd.s32 s25, s3;
	s8 =	sshrl.u32 s11, $0x2;
	s11 =	smul.u32 $0xA000, s22  }
.Ltmp0:
0x1e: {  	s0 =	sshrl.u32 s23, $0x2;
	s23 =	sshrl.u32 s26, $0x2;
	(pc) =	sbr.rel .LBB2_1-.Ltmp0, $4  }
0x1f: {  	s20 =	sadd.s32 s8, s3;
	s21 =	sadd.s32 s0, s3;
	s22 =	sadd.s32 s23, s3  }
0x20: {  	s23 =	sshrl.u32 s9, $0x2;
	s25 =	sshrl.u32 s10, $0x2;
	s26 =	sshrl.u32 s11, $0x2  }
0x21: {  	s0 =	simm.s32 $0x1;
	s11 =	simm.s32 $0x0;
	s23 =	sadd.s32 s23, s3  }
0x22: {  	v0 =	vimm.f32 $0.0e+00;
	s24 =	sadd.s32 s25, s3;
	s25 =	sadd.s32 s26, s3;
	s26 =	simm.s32 $0x100  }
.LBB2_9:
0x23: {  	s7 =	sshll.u32 s4, $0x6;
	[bflag:$0x0] =	sbarrier.arrive $0xFFFF  }
0x24: {  	s8 =	sshrl.u32 s18, $0x3;
	s7 =	sor.u32 $0x1C02, s7;
	s9 =	rddreg [dreg:$0x5]  }
0x25: {  	[hbm:s9], [sflag:s7] =	dma.local [spmem:s8], $0x500  }
0x26: {  	_ =	swait.ge [sflag:s28], $0x500  }
0x27: {  	[sflag:s28] =	ssyncset.done $0x0  }
0x28: {  	s9 =	sshrl.u32 s19, $0x3;
	s10 =	rddreg [dreg:$0x6];
	[sflag:s28] =	ssyncadd.s32 $0xFFFFFB00  }
0x29: {  	[hbm:s10], [sflag:s7] =	dma.local [spmem:s9], $0x500  }
0x2a: {  	_ =	swait.ge [sflag:s28], $0x500  }
0x2b: {  	[sflag:s28] =	ssyncset.done $0x0  }
0x2c: {  	s9 =	sshrl.u32 s20, $0x3;
	s10 =	rddreg [dreg:$0x7];
	[sflag:s28] =	ssyncadd.s32 $0xFFFFFB00  }
0x2d: {  	[hbm:s10], [sflag:s7] =	dma.local [spmem:s9], $0x500  }
0x2e: {  	_ =	swait.ge [sflag:s28], $0x500  }
0x2f: {  	[sflag:s28] =	ssyncset.done $0x0  }
0x30: {  	s9 =	sshrl.u32 s21, $0x3;
	s10 =	rddreg [dreg:$0x8];
	[sflag:s28] =	ssyncadd.s32 $0xFFFFFB00  }
0x31: {  	[hbm:s10], [sflag:s7] =	dma.local [spmem:s9], $0x500  }
0x32: {  	_ =	swait.ge [sflag:s28], $0x500  }
0x33: {  	[sflag:s28] =	ssyncset.done $0x0  }
0x34: {  	s9 =	sshrl.u32 s22, $0x3;
	s10 =	rddreg [dreg:$0x9];
	[sflag:s28] =	ssyncadd.s32 $0xFFFFFB00  }
0x35: {  	[hbm:s10], [sflag:s7] =	dma.local [spmem:s9], $0x500  }
0x36: {  	_ =	swait.ge [sflag:s28], $0x500  }
0x37: {  	[sflag:s28] =	ssyncset.done $0x0  }
0x38: {  	s9 =	sshrl.u32 s23, $0x3;
	[sflag:s28] =	ssyncadd.s32 $0xFFFFFB00  }
0x39: {  	[hbm:s12], [sflag:s7] =	dma.local [spmem:s9], $0x500  }
0x3a: {  	_ =	swait.ge [sflag:s28], $0x500  }
0x3b: {  	[sflag:s28] =	ssyncset.done $0x0  }
0x3c: {  	s10 =	sshrl.u32 s24, $0x3;
	[sflag:s28] =	ssyncadd.s32 $0xFFFFFB00  }
0x3d: {  	[hbm:s13], [sflag:s7] =	dma.local [spmem:s10], $0x500  }
0x3e: {  	_ =	swait.ge [sflag:s28], $0x500  }
0x3f: {  	s5 =	sadd.s32 $0x1, s5;
	[sflag:s28] =	ssyncset.done $0x0  }
0x40: {  	p1 =	sne.s32 s5, s17;
	s8 =	sshrl.u32 @!p0 s25, $0x3;
	[sflag:s28] =	ssyncadd.s32 $0xFFFFFB00  }
0x41: {  	[hbm:s14], [sflag:s7] =	dma.local @!p0 [spmem:s8], $0x500  }
.Ltmp1:
0x42: {  	_ = 	snop;
	(pc) =	sbr.rel @!p1 .LBB2_10-.Ltmp1, $4  }
0x43: {  	s7 =	simm.s32 @!p0 $0x2  }
0x44: {  	_ =	swait.ge @!p0 [sflag:s7], $0x500  }
0x45: {  	[sflag:s7] =	ssyncset.done @!p0 $0x0  }
0x46: {  	[sflag:s7] =	ssyncadd.s32 @!p0 $0xFFFFFB00  }
.LBB2_1:
0x47: {  	s7 =	simm.s32 $0x0;
	s8 =	simm.s32 $0x200  }
.LBB2_2:
0x48: {  	p1 =	sne.s32 s8, $0x9E00;
	[tilespmem:s7+$0x170] =	vst v0  }
0x49: {  	[tilespmem:s7+$0x100] =	vst v0  }
0x4a: {  	[tilespmem:s7+$0x110] =	vst v0  }
.Ltmp2:
0x4b: {  	[tilespmem:s7+$0x120] =	vst v0;
	(pc) =	sbr.rel @p1 .LBB2_2-.Ltmp2, $4  }
0x4c: {  	[tilespmem:s7+$0x130] =	vst v0  }
0x4d: {  	[tilespmem:s7+$0x140] =	vst v0  }
0x4e: {  	[tilespmem:s7+$0x150] =	vst v0  }
0x4f: {  	[tilespmem:s7+$0x160] =	vst v0;
	s7 =	sshra.s32 s8, $0x2;
	s8 =	sadd.s32 $0x200, s8  }
0x50: {  	[tilespmem:s7+$0x170] =	vst v0  }
0x51: {  	[tilespmem:s7+$0x100] =	vst v0  }
0x52: {  	[tilespmem:s7+$0x110] =	vst v0  }
0x53: {  	[tilespmem:s7+$0x120] =	vst v0  }
0x54: {  	[tilespmem:s7+$0x130] =	vst v0  }
0x55: {  	[tilespmem:s7+$0x140] =	vst v0  }
0x56: {  	[tilespmem:s7+$0x150] =	vst v0  }
0x57: {  	[tilespmem:s7+$0x160] =	vst v0  }
0x58: {  	[spmem:s18] =	stream.linear.scatter [tilespmem:s26], [sflag:$0x2], $0x2800, $0x38;
	[tilespmem:$0x1B980] =	vst v63  }
0x59: {  	_ =	swait.ge [sflag:s28], $0x2800  }
0x5a: {  	[sflag:s28] =	ssyncset.done $0x0  }
0x5b: {  	[sflag:s28] =	ssyncadd.s32 $0xFFFFD800  }
0x5c: {  	[spmem:s19] =	stream.linear.scatter [tilespmem:s26], [sflag:$0x2], $0x2800, $0x38;
	[tilespmem:$0x1B980] =	vst v63  }
0x5d: {  	_ =	swait.ge [sflag:s28], $0x2800  }
0x5e: {  	[sflag:s28] =	ssyncset.done $0x0  }
0x5f: {  	[sflag:s28] =	ssyncadd.s32 $0xFFFFD800  }
0x60: {  	[spmem:s20] =	stream.linear.scatter [tilespmem:s26], [sflag:$0x2], $0x2800, $0x38;
	[tilespmem:$0x1B980] =	vst v63  }
0x61: {  	_ =	swait.ge [sflag:s28], $0x2800  }
0x62: {  	[sflag:s28] =	ssyncset.done $0x0  }
0x63: {  	[sflag:s28] =	ssyncadd.s32 $0xFFFFD800  }
0x64: {  	[spmem:s21] =	stream.linear.scatter [tilespmem:s26], [sflag:$0x2], $0x2800, $0x38;
	[tilespmem:$0x1B980] =	vst v63  }
0x65: {  	_ =	swait.ge [sflag:s28], $0x2800  }
0x66: {  	[sflag:s28] =	ssyncset.done $0x0  }
0x67: {  	[sflag:s28] =	ssyncadd.s32 $0xFFFFD800  }
0x68: {  	[spmem:s22] =	stream.linear.scatter [tilespmem:s26], [sflag:$0x2], $0x2800, $0x38;
	[tilespmem:$0x1B980] =	vst v63  }
0x69: {  	_ =	swait.ge [sflag:s28], $0x2800  }
0x6a: {  	[sflag:s28] =	ssyncset.done $0x0  }
0x6b: {  	[sflag:s28] =	ssyncadd.s32 $0xFFFFD800  }
0x6c: {  	[spmem:s23] =	stream.linear.scatter [tilespmem:s26], [sflag:$0x2], $0x2800, $0x38;
	[tilespmem:$0x1B980] =	vst v63  }
0x6d: {  	_ =	swait.ge [sflag:s28], $0x2800  }
0x6e: {  	[sflag:s28] =	ssyncset.done $0x0  }
0x6f: {  	[sflag:s28] =	ssyncadd.s32 $0xFFFFD800  }
0x70: {  	[spmem:s24] =	stream.linear.scatter [tilespmem:s26], [sflag:$0x2], $0x2800, $0x38;
	[tilespmem:$0x1B980] =	vst v63  }
0x71: {  	_ =	swait.ge [sflag:s28], $0x2800  }
0x72: {  	[sflag:s28] =	ssyncset.done $0x0  }
0x73: {  	s7 =	simm.s32 @!p0 $0x100;
	[sflag:s28] =	ssyncadd.s32 $0xFFFFD800  }
0x74: {  	[spmem:s25] =	stream.linear.scatter @!p0 [tilespmem:s7], [sflag:$0x2], $0x2800, $0x38;
	[tilespmem:$0x1B980] =	vst v63  }
0x75: {  	s7 =	simm.s32 @!p0 $0x2  }
.Ltmp3:
0x76: {  	_ =	swait.ge @!p0 [sflag:s7], $0x2800;
	(pc) =	sbr.rel .LBB2_4-.Ltmp3, $4  }
0x77: {  	[sflag:s7] =	ssyncset.done @!p0 $0x0  }
0x78: {  	[sflag:s7] =	ssyncadd.s32 @!p0 $0xFFFFD800  }
0x79: {  	[bflag:$0x0] =	sbarrier.arrive $0xFFFF  }
0x7a: {  	s7 =	simm.s32 $0x0  }
.LBB2_8:
0x7b: {  	s7 =	sadd.s32 $0x1, s7  }
0x7c: {  	p1 =	sne.s32 s7, $0x9D  }
.Ltmp4:
0x7d: {  	_ = 	snop;
	(pc) =	sbr.rel @!p1 .LBB2_9-.Ltmp4, $1  }
0x7e: {  	_ =	sdelay $0x3  }
.LBB2_4:
0x7f: {  	s8 =	sshll.u32 s7, $0x4  }
0x80: {  	s8 =	sor.u32 s4, s8  }
0x81: {  	p1 =	sgt.u32 s8, $0x9C3  }
.Ltmp5:
0x82: {  	_ = 	snop;
	(pc) =	sbr.rel @p1 .LBB2_8-.Ltmp5, $1  }
0x83: {  	_ =	sdelay $0x3  }
0x84: {  	s9 =	sshll.u32 s8, $0x4  }
0x85: {  	s10 =	sadd.s32 s15, s9  }
0x86: {  	[tilespmem:s11], [sflag:$0x3] =	stream.linear.gather [hbm4b:s10+s11], $0x80, $0x38;
	[tilespmem:$0x1B980] =	vst v63  }
0x87: {  	_ =	swait.ge [sflag:s29], $0x80  }
0x88: {  	[sflag:s29] =	ssyncset.done $0x0  }
0x89: {  	s9 =	sadd.s32 s1, s9;
	s10 =	sshll.u32 s8, $0xE;
	[sflag:s29] =	ssyncadd.s32 $0xFFFFFF80  }
0x8a: {  	[tilespmem:s30], [sflag:$0x3] =	stream.linear.gather [hbm4b:s9+s11], $0x80, $0x38;
	[tilespmem:$0x1B980] =	vst v63  }
0x8b: {  	s8 =	sadd.s32 s6, s10;
	_ =	swait.ge [sflag:s29], $0x80  }
0x8c: {  	s8 =	sshrl.u32 s8, $0x3;
	[sflag:s29] =	ssyncset.done $0x0  }
0x8d: {  	s8 =	sadd.s32 s16, s8;
	[sflag:s29] =	ssyncadd.s32 $0xFFFFFF80  }
0x8e: {  	[tilespmem:s31], [sflag:$0x3] =	stream.linear.gather [hbm4b:s8+s11], $0x4000, $0x38;
	[tilespmem:$0x1B980] =	vst v63  }
0x8f: {  	_ =	swait.ge [sflag:s29], $0x4000  }
0x90: {  	[sflag:s29] =	ssyncset.done $0x0  }
0x91: {  	[sflag:s29] =	ssyncadd.s32 $0xFFFFC000  }
0x92: {  	[tilespmem:s26], [sflag:$0x1] =	stream.indirect.gather [hbm4b:s2+s30], $0x80, s11, s30, $0xb8;
	[tilespmem:$0x1B980] =	vst v63  }
0x93: {  	_ =	swait.ge [sflag:s0], $0x4000  }
0x94: {  	[sflag:s0] =	ssyncset.done $0x0  }
0x95: {  	s8 =	simm.s32 $0x0;
	[sflag:s0] =	ssyncadd.s32 $0xFFFFC000  }
0x96: {  	v8 =	vld [tilespmem:s8+$0x100]  }
0x97: {  	v12 =	vld [tilespmem:s8+$0x110]  }
0x98: {  	v6 =	vld [tilespmem:s8+$0x120]  }
0x99: {  	v5 =	vld [tilespmem:s8+$0x130]  }
0x9a: {  	v4 =	vld [tilespmem:s8+$0x140]  }
0x9b: {  	v3 =	vld [tilespmem:s8+$0x150]  }
0x9c: {  	v2 =	vld [tilespmem:s8+$0x160]  }
0x9d: {  	v1 =	vld [tilespmem:s8+$0x170]  }
0x9e: {  	v13 =	vld [tilespmem:s8+$0x4100]  }
0x9f: {  	v14 =	vld [tilespmem:s8+$0x4110]  }
0xa0: {  	v11 =	vld [tilespmem:s8+$0x4120]  }
0xa1: {  	v10 =	vld [tilespmem:s8+$0x4130]  }
0xa2: {  	v9 =	vld [tilespmem:s8+$0x4140]  }
0xa3: {  	v7 =	vld [tilespmem:s8+$0x4150];
	v13 =	vmul.f32 v8, v13  }
0xa4: {  	s9 =	simm.s32 $0x200;
	v12 =	vmul.f32 v12, v14;
	v8 =	vld [tilespmem:s8+$0x4160]  }
.LBB2_6:
0xa5: {  	s10 =	sshra.s32 s9, $0x2;
	p1 =	sne.s32 s9, $0xFE00;
	[tilespmem:s8+$0x4100] =	vst v13;
	v6 =	vmul.f32 v6, v11;
	v11 =	vld [tilespmem:s8+$0x4170]  }
0xa6: {  	v13 =	vld [tilespmem:s10+$0x100];
	[tilespmem:s8+$0x4110] =	vst v12;
	v5 =	vmul.f32 v5, v10  }
0xa7: {  	v12 =	vld [tilespmem:s10+$0x110];
	[tilespmem:s8+$0x4120] =	vst v6;
	v4 =	vmul.f32 v4, v9  }
0xa8: {  	v6 =	vld [tilespmem:s10+$0x120];
	[tilespmem:s8+$0x4130] =	vst v5;
	v3 =	vmul.f32 v3, v7  }
0xa9: {  	v5 =	vld [tilespmem:s10+$0x130];
	[tilespmem:s8+$0x4140] =	vst v4;
	v2 =	vmul.f32 v2, v8  }
0xaa: {  	v4 =	vld [tilespmem:s10+$0x140];
	[tilespmem:s8+$0x4150] =	vst v3;
	v1 =	vmul.f32 v1, v11  }
0xab: {  	v3 =	vld [tilespmem:s10+$0x150];
	[tilespmem:s8+$0x4160] =	vst v2  }
0xac: {  	v2 =	vld [tilespmem:s10+$0x160];
	[tilespmem:s8+$0x4170] =	vst v1;
	s8 =	smov.u32 s10  }
0xad: {  	v1 =	vld [tilespmem:s8+$0x170]  }
0xae: {  	v7 =	vld [tilespmem:s8+$0x4100]  }
0xaf: {  	v8 =	vld [tilespmem:s8+$0x4110]  }
.Ltmp6:
0xb0: {  	v11 =	vld [tilespmem:s8+$0x4120];
	(pc) =	sbr.rel @p1 .LBB2_6-.Ltmp6, $4  }
0xb1: {  	v10 =	vld [tilespmem:s8+$0x4130]  }
0xb2: {  	v9 =	vld [tilespmem:s8+$0x4140]  }
0xb3: {  	v13 =	vmul.f32 v13, v7;
	v7 =	vld [tilespmem:s8+$0x4150]  }
0xb4: {  	s9 =	sadd.s32 $0x200, s9;
	v12 =	vmul.f32 v12, v8;
	v8 =	vld [tilespmem:s8+$0x4160]  }
0xb5: {  	[tilespmem:s8+$0x4100] =	vst v13;
	v6 =	vmul.f32 v6, v11;
	v63 =	vld [tilespmem:s8+$0x4170]  }
0xb6: {  	[tilespmem:s8+$0x4110] =	vst v12;
	v5 =	vmul.f32 v5, v10  }
0xb7: {  	[tilespmem:s8+$0x4120] =	vst v6;
	v4 =	vmul.f32 v4, v9  }
0xb8: {  	[tilespmem:s8+$0x4130] =	vst v5;
	v3 =	vmul.f32 v3, v7  }
0xb9: {  	[tilespmem:s8+$0x4140] =	vst v4;
	v2 =	vmul.f32 v2, v8  }
0xba: {  	[tilespmem:s8+$0x4150] =	vst v3;
	v1 =	vmul.f32 v1, v63  }
0xbb: {  	[tilespmem:s8+$0x4160] =	vst v2  }
.Ltmp7:
0xbc: {  	[tilespmem:s8+$0x4170] =	vst v1;
	(pc) =	sbr.rel .LBB2_8-.Ltmp7, $4  }
0xbd: {  	[spmem:s3] =	stream.indirect.scatter.add.f32 [tilespmem:s31], [sflag:$0x2], $0x80, s30, s30, $0xb8;
	[tilespmem:$0x1B980] =	vst v63  }
0xbe: {  	_ =	swait.ge [sflag:s28], $0x4000  }
0xbf: {  	[sflag:s28] =	ssyncset.done $0x0  }
0xc0: {  	[sflag:s28] =	ssyncadd.s32 $0xFFFFC000  }
.LBB2_10:
0xc1: {  	_ =	sfence.sel $0x180000  }
0xc2: {  	[bflag:$0x0] =	sbarrier.arrive $0xFFFF  }
0xc3: {  	_ =	strace $0x90000047  }
0xc4: {  	[bflag:$0x2] =	sbarrier.arrive $0xFFFF  }
0xc5: {  	p0 =	sne.s32 s4, $0x0;
	s0 =	rddreg [dreg:$0x4]  }
0xc6: {  	s0 =	sadd.s32 @!p0 $0x100000, s0  }
0xc7: {  	[sflag:s0] =	ssyncadd.tile.s32 @!p0 $0x1;
	_ =	shalt  }
.Lfunc_end2:
_tile_overlayer_lowered:
.L_overlay_start_2:
0xc8: {  	(tag) =	ssettag $0x2  }
0xc9: {  	s0 =	rddreg [dreg:$0x0];
	s2 =	stileid.u32  }
0xca: {  	s1 =	rddreg [dreg:$0x1];
	p0 =	sne.s32 s2, $0x0  }
0xcb: {  	s3 =	rddreg [dreg:$0x2];
	[bflag:$0x3] =	sbarrier.arrive $0xFFFF;
	s2 =	simm.s32 @!p0 $0x1C02  }
0xcc: {  	[timem:s3], [sflag:s2] =	dma.local @!p0 [hbm:s0], s1  }
0xcd: {  	s0 =	simm.s32 @!p0 $0x2  }
0xce: {  	_ =	swait.ge @!p0 [sflag:s0], s1  }
0xcf: {  	s1 =	ssub.s32 @!p0 $0x0, s1;
	[sflag:s0] =	ssyncset.done @!p0 $0x0  }
0xd0: {  	[sflag:s0] =	ssyncadd.s32 @!p0 s1  }
0xd1: {  	[bflag:$0x3] =	sbarrier.arrive $0xFFFF  }
0xd2: {  	_ =	shalt  }

</sc_bundles>
